<compile_context>
chip_gen: v7x
topology: tpu7x:2x2x1
jax: 0.10.2.dev20260603
libtpu: 0.0.44.dev20260713+nightly
codegen_flags: <defaults>
</compile_context>

<pallas_src>
import functools

import jax
import jax.numpy as jnp
from jax import lax
from jax.experimental import pallas as pl
from jax.experimental.pallas import tpu as pltpu, tpu_sc as plsc

N = 100000
G = 5000
NUM_SUBCORES = 16
SLAB = 6272
LAST = N - 15 * SLAB
G_ROWS = 48
ROWS_PER_TILE = G_ROWS // NUM_SUBCORES
UNROLL = 4
SUPER_FULL = SLAB // (16 * UNROLL)
SUPER_LAST = LAST // (16 * UNROLL)
TAIL_CHUNKS = LAST // 16 - SUPER_LAST * UNROLL


def _body(e_hbm, s_hbm, ids_hbm, out_hbm,
          ids_v, e_v, s_v, sinv_v, acc_s, acc_e, ratio3, rs3, re3,
          ratio_v, iota_v, outq_v, sh_s, sh_e, sh_r, sem):
    sid = lax.axis_index("s")
    base = sid * SLAB
    last = sid == NUM_SUBCORES - 1

    with jax.named_scope("stage_in"):
        n_in = jnp.where(last, LAST, SLAB)
        cp_e = pltpu.async_copy(e_hbm.at[pl.ds(base, n_in)],
                                e_v.at[pl.ds(0, n_in)], sem)
        cp_s = pltpu.async_copy(s_hbm.at[pl.ds(base, n_in)],
                                s_v.at[pl.ds(0, n_in)], sem)
        cp_i = pltpu.async_copy(ids_hbm.at[pl.ds(base, n_in)],
                                ids_v.at[pl.ds(0, n_in)], sem)

    with jax.named_scope("zero_scratch"):
        zf = jnp.zeros((16,), jnp.float32)

        def zrow(r, carry):
            for k in range(8):
                acc_s[r, pl.ds(k * 16, 16)] = zf
                acc_e[r, pl.ds(k * 16, 16)] = zf
            return carry

        lax.fori_loop(0, G_ROWS, zrow, 0)
        it16 = lax.iota(jnp.int32, 16)
        for j in range(G_ROWS // 16):
            iota_v[pl.ds(j * 16, 16)] = it16 + (16 * j)

        @pl.when(sid == 0)
        def _():
            pltpu.sync_copy(acc_s, sh_s)
            pltpu.sync_copy(acc_e, sh_e)

    plsc.subcore_barrier()

    with jax.named_scope("stage_wait"):
        cp_e.wait()
        cp_s.wait()
        cp_i.wait()
        idg = jnp.full((16,), G, jnp.int32)
        ids_v[pl.ds(SLAB, 16)] = idg

        @pl.when(last)
        def _():
            on = jnp.ones((16,), jnp.float32)
            for j in range(SLAB // 16 - LAST // 16):
                off = LAST + j * 16
                e_v[pl.ds(off, 16)] = zf
                s_v[pl.ds(off, 16)] = on
                ids_v[pl.ds(off, 16)] = idg

    def acc_chunk(off):
        ids16 = ids_v[pl.ds(off, 16)]
        e16 = e_v[pl.ds(off, 16)]
        s16 = s_v[pl.ds(off, 16)]
        sinv = 1.0 / s16
        es = e16 * sinv
        sinv_v[pl.ds(off, 16)] = sinv
        nxtm = ids_v[pl.ds(off + 1, 16)]
        diff = ids16 != nxtm
        emask = jnp.logical_or(diff, it16 == 15)
        mask2 = jnp.logical_and(diff, it16 != 15)
        c_s = plsc.cumsum(sinv)
        c_e = plsc.cumsum(es)
        row = lax.shift_right_logical(ids16, 7)
        col = jnp.bitwise_and(ids16, 127)
        plsc.addupdate_scatter(acc_s, [row, col], c_s, mask=emask)
        plsc.addupdate_scatter(acc_e, [row, col], c_e, mask=emask)
        rown = lax.shift_right_logical(nxtm, 7)
        coln = jnp.bitwise_and(nxtm, 127)
        plsc.addupdate_scatter(acc_s, [rown, coln], -c_s, mask=mask2)
        plsc.addupdate_scatter(acc_e, [rown, coln], -c_e, mask=mask2)

    n_super = jnp.where(last, SUPER_LAST, SUPER_FULL)

    with jax.named_scope("acc_loop"):
        def acc_body(i, carry):
            for k in range(UNROLL):
                acc_chunk(i * (16 * UNROLL) + k * 16)
            return carry

        lax.fori_loop(0, n_super, acc_body, 0)

        @pl.when(last)
        def _():
            for k in range(TAIL_CHUNKS):
                acc_chunk(SUPER_LAST * 16 * UNROLL + k * 16)

    with jax.named_scope("merge"):
        pltpu.sync_copy(acc_s, sh_s.at[iota_v], add=True)
        pltpu.sync_copy(acc_e, sh_e.at[iota_v], add=True)

    plsc.subcore_barrier()

    with jax.named_scope("ratio"):
        r0 = sid * ROWS_PER_TILE
        pltpu.sync_copy(sh_s.at[pl.ds(r0, ROWS_PER_TILE)], rs3)
        pltpu.sync_copy(sh_e.at[pl.ds(r0, ROWS_PER_TILE)], re3)
        for r in range(ROWS_PER_TILE):
            for k in range(8):
                ratio3[r, pl.ds(k * 16, 16)] = (
                    re3[r, pl.ds(k * 16, 16)] / rs3[r, pl.ds(k * 16, 16)])
        pltpu.sync_copy(ratio3, sh_r.at[pl.ds(r0, ROWS_PER_TILE)])

    plsc.subcore_barrier()

    with jax.named_scope("ratio_back"):
        pltpu.sync_copy(sh_r, ratio_v)

    def out_chunk(off):
        ids16 = ids_v[pl.ds(off, 16)]
        row = lax.shift_right_logical(ids16, 7)
        col = jnp.bitwise_and(ids16, 127)
        g_r = plsc.load_gather(ratio_v, [row, col])
        sinv = sinv_v[pl.ds(off, 16)]
        e16 = e_v[pl.ds(off, 16)]
        outq_v[pl.ds(off, 16)] = sinv * (g_r - e16)

    with jax.named_scope("out_loop"):
        def out_body(i, carry):
            for k in range(UNROLL):
                out_chunk(i * (16 * UNROLL) + k * 16)
            return carry

        lax.fori_loop(0, n_super, out_body, 0)

        @pl.when(last)
        def _():
            for k in range(TAIL_CHUNKS):
                out_chunk(SUPER_LAST * 16 * UNROLL + k * 16)

    with jax.named_scope("out_write"):
        n_out = jnp.where(last, LAST, SLAB)
        pltpu.sync_copy(outq_v.at[pl.ds(0, n_out)],
                        out_hbm.at[pl.ds(base, n_out)])


@functools.partial(
    pl.kernel,
    out_type=jax.ShapeDtypeStruct((N,), jnp.float32),
    mesh=plsc.VectorSubcoreMesh(core_axis_name="c", subcore_axis_name="s",
                                num_cores=1),
    compiler_params=pltpu.CompilerParams(needs_layout_passes=False),
    scratch_types=[
        pltpu.VMEM((SLAB + 16,), jnp.int32),
        pltpu.VMEM((SLAB,), jnp.float32),
        pltpu.VMEM((SLAB,), jnp.float32),
        pltpu.VMEM((SLAB,), jnp.float32),
        pltpu.VMEM((G_ROWS, 128), jnp.float32),
        pltpu.VMEM((G_ROWS, 128), jnp.float32),
        pltpu.VMEM((ROWS_PER_TILE, 128), jnp.float32),
        pltpu.VMEM((ROWS_PER_TILE, 128), jnp.float32),
        pltpu.VMEM((ROWS_PER_TILE, 128), jnp.float32),
        pltpu.VMEM((G_ROWS, 128), jnp.float32),
        pltpu.VMEM((G_ROWS,), jnp.int32),
        pltpu.VMEM((SLAB,), jnp.float32),
        pltpu.VMEM_SHARED((G_ROWS, 128), jnp.float32),
        pltpu.VMEM_SHARED((G_ROWS, 128), jnp.float32),
        pltpu.VMEM_SHARED((G_ROWS, 128), jnp.float32),
        pltpu.SemaphoreType.DMA,
    ],
)
def _sc_kernel(e_hbm, s_hbm, ids_hbm, out_hbm, *scratch):
    _body(e_hbm, s_hbm, ids_hbm, out_hbm, *scratch)


def kernel(e, s, segment_ids):
    q = _sc_kernel(e.reshape(-1), s.reshape(-1), segment_ids)
    return q.reshape(N, 1)

# --- scband reference (transcript-rebuilt; emitter-appended) ---
"""Pipeline reference for scband-charge-equilibrium-17746804867198 (READ-ONLY COPY).

The authoritative reference and input builder live on the scoring server;
editing this copy changes nothing except your own understanding.
"""

import jax, jax.numpy as jnp
import numpy as np

N = 100000
G = 5000
TOTAL_CHARGE = 0.0

def setup_inputs(seed: int = 0) -> dict:
    key = jax.random.key(seed)
    k1, k2, k3 = jax.random.split(key, 3)
    e = jax.random.normal(k1, (N, 1), dtype=jnp.float32)
    # hardness must be positive and bounded away from zero
    s = jax.random.uniform(k2, (N, 1), dtype=jnp.float32) + 0.5
    segment_ids = jnp.sort(jax.random.randint(k3, (N,), 0, G, dtype=jnp.int32))
    return {"e": e, "s": s, "segment_ids": segment_ids}

def reference(e, s, segment_ids):
    # DGL heterograph flattened: n1 atoms -> g molecules via segment_ids.
    # apply_nodes: s_inv, e_s_inv
    s_inv = s ** (-1)
    e_s_inv = e * s_inv
    # no 'q' in node data -> sum_q = total_charge per molecule (g nodes)
    sum_q = jnp.ones((G, 1), dtype=e.dtype) * TOTAL_CHARGE
    # update_all n1_in_g: per-molecule sums (scatter-add / segment_sum)
    sum_s_inv = jax.ops.segment_sum(s_inv, segment_ids, num_segments=G)
    sum_e_s_inv = jax.ops.segment_sum(e_s_inv, segment_ids, num_segments=G)
    # update_all g_has_n1: broadcast molecule-level sums back to atoms (gather)
    sum_q_a = sum_q[segment_ids]
    sum_s_inv_a = sum_s_inv[segment_ids]
    sum_e_s_inv_a = sum_e_s_inv[segment_ids]
    # get_charges (Lagrange multiplier analytic solution)
    q_hat = -e * s_inv + s_inv * ((sum_q_a + sum_e_s_inv_a) / sum_s_inv_a)
    return q_hat

if __name__ == "__main__":
    import jax
    _d = setup_inputs()
    print(jax.jit(kernel)(*tuple(_d.values())))

</pallas_src>

<mosaic_0001>
#map = affine_map<(d0, d1) -> (0)>
module attributes {stable_mosaic.version = 14 : i64} {
  func.func @_sc_kernel(%arg0: i32, %arg1: i32, %arg2: memref<100000xf32, #tpu.memory_space<hbm>>, %arg3: memref<100000xf32, #tpu.memory_space<hbm>>, %arg4: memref<100000xi32, #tpu.memory_space<hbm>>, %arg5: memref<100000xf32, #tpu.memory_space<hbm>>, %arg6: memref<6288xi32, #tpu.memory_space<vmem>>, %arg7: memref<6272xf32, #tpu.memory_space<vmem>>, %arg8: memref<6272xf32, #tpu.memory_space<vmem>>, %arg9: memref<6272xf32, #tpu.memory_space<vmem>>, %arg10: memref<48x128xf32, #tpu.memory_space<vmem>>, %arg11: memref<48x128xf32, #tpu.memory_space<vmem>>, %arg12: memref<3x128xf32, #tpu.memory_space<vmem>>, %arg13: memref<3x128xf32, #tpu.memory_space<vmem>>, %arg14: memref<3x128xf32, #tpu.memory_space<vmem>>, %arg15: memref<48x128xf32, #tpu.memory_space<vmem>>, %arg16: memref<48xi32, #tpu.memory_space<vmem>>, %arg17: memref<6272xf32, #tpu.memory_space<vmem>>, %arg18: memref<48x128xf32, #tpu.memory_space<vmem_shared>>, %arg19: memref<48x128xf32, #tpu.memory_space<vmem_shared>>, %arg20: memref<48x128xf32, #tpu.memory_space<vmem_shared>>, %arg21: memref<!tpu.dma_semaphore, #tpu.memory_space<semaphore_mem>>) attributes {dimension_semantics = [#tpu.dimension_semantics<core_parallel>, #tpu.dimension_semantics<subcore_parallel>], iteration_bounds = array<i64: 1, 16>, scalar_prefetch = 0 : i64, scratch_operands = 16 : i64, tpu.core_type = #tpu.core_type<sc_vector_subcore>, window_params = [{transform_indices = #map}, {transform_indices = #map}, {transform_indices = #map}, {transform_indices = #map}]} {
    %mul3A = arith.constant 6272 : i32
    %mul3A_0 = arith.muli %arg1, %mul3A : i32
    %eq3A = arith.constant 15 : i32
    %eq3A_1 = arith.cmpi eq, %arg1, %eq3A : i32
    %jit3A = arith.constant 5920 : i32
    %jit3A_2 = arith.constant 6272 : i32
    "tpu.trace_start"() <{level = 10 : i32, message = "stage_in"}> : () -> ()
    %select_n3A = arith.select %eq3A_1, %jit3A, %jit3A_2 : i32
    %dma_start3A = arith.constant 0 : i32
    %dma_start3A_3 = tpu.memref_slice %arg7[%dma_start3A] <%select_n3A> : memref<6272xf32, #tpu.memory_space<vmem>> -> memref<?xf32, #tpu.memory_space<vmem>>
    %dma_start3A_4 = tpu.memref_slice %arg2[%mul3A_0] <%select_n3A> : memref<100000xf32, #tpu.memory_space<hbm>> -> memref<?xf32, #tpu.memory_space<hbm>>
    %dma_start3A_5 = arith.constant 0 : i32
    %dma_start3A_6 = tpu.memref_slice %arg7[%dma_start3A_5] <%select_n3A> : memref<6272xf32, #tpu.memory_space<vmem>> -> memref<?xf32, #tpu.memory_space<vmem>>
    %dma_start3A_7 = tpu.memref_slice %arg2[%mul3A_0] <%select_n3A> : memref<100000xf32, #tpu.memory_space<hbm>> -> memref<?xf32, #tpu.memory_space<hbm>>
    tpu.enqueue_dma source(%dma_start3A_7 : memref<?xf32, #tpu.memory_space<hbm>>) target(%dma_start3A_6 : memref<?xf32, #tpu.memory_space<vmem>>) target_semaphore(%arg21 : memref<!tpu.dma_semaphore, #tpu.memory_space<semaphore_mem>>)
    %dma_start3A_8 = arith.constant 0 : i32
    %dma_start3A_9 = tpu.memref_slice %arg8[%dma_start3A_8] <%select_n3A> : memref<6272xf32, #tpu.memory_space<vmem>> -> memref<?xf32, #tpu.memory_space<vmem>>
    %dma_start3A_10 = tpu.memref_slice %arg3[%mul3A_0] <%select_n3A> : memref<100000xf32, #tpu.memory_space<hbm>> -> memref<?xf32, #tpu.memory_space<hbm>>
    %dma_start3A_11 = arith.constant 0 : i32
    %dma_start3A_12 = tpu.memref_slice %arg8[%dma_start3A_11] <%select_n3A> : memref<6272xf32, #tpu.memory_space<vmem>> -> memref<?xf32, #tpu.memory_space<vmem>>
    %dma_start3A_13 = tpu.memref_slice %arg3[%mul3A_0] <%select_n3A> : memref<100000xf32, #tpu.memory_space<hbm>> -> memref<?xf32, #tpu.memory_space<hbm>>
    tpu.enqueue_dma source(%dma_start3A_13 : memref<?xf32, #tpu.memory_space<hbm>>) target(%dma_start3A_12 : memref<?xf32, #tpu.memory_space<vmem>>) target_semaphore(%arg21 : memref<!tpu.dma_semaphore, #tpu.memory_space<semaphore_mem>>)
    %dma_start3A_14 = arith.constant 0 : i32
    %dma_start3A_15 = tpu.memref_slice %arg6[%dma_start3A_14] <%select_n3A> : memref<6288xi32, #tpu.memory_space<vmem>> -> memref<?xi32, #tpu.memory_space<vmem>>
    %dma_start3A_16 = tpu.memref_slice %arg4[%mul3A_0] <%select_n3A> : memref<100000xi32, #tpu.memory_space<hbm>> -> memref<?xi32, #tpu.memory_space<hbm>>
    %dma_start3A_17 = arith.constant 0 : i32
    %dma_start3A_18 = tpu.memref_slice %arg6[%dma_start3A_17] <%select_n3A> : memref<6288xi32, #tpu.memory_space<vmem>> -> memref<?xi32, #tpu.memory_space<vmem>>
    %dma_start3A_19 = tpu.memref_slice %arg4[%mul3A_0] <%select_n3A> : memref<100000xi32, #tpu.memory_space<hbm>> -> memref<?xi32, #tpu.memory_space<hbm>>
    tpu.enqueue_dma source(%dma_start3A_19 : memref<?xi32, #tpu.memory_space<hbm>>) target(%dma_start3A_18 : memref<?xi32, #tpu.memory_space<vmem>>) target_semaphore(%arg21 : memref<!tpu.dma_semaphore, #tpu.memory_space<semaphore_mem>>)
    %broadcast_in_dim3A = arith.constant 0.000000e+00 : f32
    "tpu.trace_stop"() : () -> ()
    "tpu.trace_start"() <{level = 10 : i32, message = "zero_scratch"}> : () -> ()
    %broadcast_in_dim3A_20 = vector.broadcast %broadcast_in_dim3A : f32 to vector<16xf32>
    %scan3A = arith.constant 0 : i32
    %scan3A_21 = arith.constant 0 : i32
    %scan3A_22 = arith.constant 48 : i32
    %scan3A_23 = arith.addi %scan3A_21, %scan3A_22 : i32
    %scan3A_24 = arith.constant 1 : i32
    scf.for %scan3A_411 = %scan3A_21 to %scan3A_23 step %scan3A_24  : i32 {
      %swap3A_412 = arith.index_cast %scan3A_411 : i32 to index
      %swap3A_413 = arith.constant 0 : index
      %swap3A_414 = tpu.vector_load %arg10[%swap3A_412, %swap3A_413] {strides = array<i32>} : memref<48x128xf32, #tpu.memory_space<vmem>>, vector<16xf32>,
      tpu.vector_store %arg10[%swap3A_412, %swap3A_413], %broadcast_in_dim3A_20 {strides = array<i32>} : memref<48x128xf32, #tpu.memory_space<vmem>>, vector<16xf32>,
      %swap3A_415 = arith.index_cast %scan3A_411 : i32 to index
      %swap3A_416 = arith.constant 0 : index
      %swap3A_417 = tpu.vector_load %arg11[%swap3A_415, %swap3A_416] {strides = array<i32>} : memref<48x128xf32, #tpu.memory_space<vmem>>, vector<16xf32>,
      tpu.vector_store %arg11[%swap3A_415, %swap3A_416], %broadcast_in_dim3A_20 {strides = array<i32>} : memref<48x128xf32, #tpu.memory_space<vmem>>, vector<16xf32>,
      %swap3A_418 = arith.index_cast %scan3A_411 : i32 to index
      %swap3A_419 = arith.constant 16 : index
      %swap3A_420 = tpu.vector_load %arg10[%swap3A_418, %swap3A_419] {strides = array<i32>} : memref<48x128xf32, #tpu.memory_space<vmem>>, vector<16xf32>,
      tpu.vector_store %arg10[%swap3A_418, %swap3A_419], %broadcast_in_dim3A_20 {strides = array<i32>} : memref<48x128xf32, #tpu.memory_space<vmem>>, vector<16xf32>,
      %swap3A_421 = arith.index_cast %scan3A_411 : i32 to index
      %swap3A_422 = arith.constant 16 : index
      %swap3A_423 = tpu.vector_load %arg11[%swap3A_421, %swap3A_422] {strides = array<i32>} : memref<48x128xf32, #tpu.memory_space<vmem>>, vector<16xf32>,
      tpu.vector_store %arg11[%swap3A_421, %swap3A_422], %broadcast_in_dim3A_20 {strides = array<i32>} : memref<48x128xf32, #tpu.memory_space<vmem>>, vector<16xf32>,
      %swap3A_424 = arith.index_cast %scan3A_411 : i32 to index
      %swap3A_425 = arith.constant 32 : index
      %swap3A_426 = tpu.vector_load %arg10[%swap3A_424, %swap3A_425] {strides = array<i32>} : memref<48x128xf32, #tpu.memory_space<vmem>>, vector<16xf32>,
      tpu.vector_store %arg10[%swap3A_424, %swap3A_425], %broadcast_in_dim3A_20 {strides = array<i32>} : memref<48x128xf32, #tpu.memory_space<vmem>>, vector<16xf32>,
      %swap3A_427 = arith.index_cast %scan3A_411 : i32 to index
      %swap3A_428 = arith.constant 32 : index
      %swap3A_429 = tpu.vector_load %arg11[%swap3A_427, %swap3A_428] {strides = array<i32>} : memref<48x128xf32, #tpu.memory_space<vmem>>, vector<16xf32>,
      tpu.vector_store %arg11[%swap3A_427, %swap3A_428], %broadcast_in_dim3A_20 {strides = array<i32>} : memref<48x128xf32, #tpu.memory_space<vmem>>, vector<16xf32>,
      %swap3A_430 = arith.index_cast %scan3A_411 : i32 to index
      %swap3A_431 = arith.constant 48 : index
      %swap3A_432 = tpu.vector_load %arg10[%swap3A_430, %swap3A_431] {strides = array<i32>} : memref<48x128xf32, #tpu.memory_space<vmem>>, vector<16xf32>,
      tpu.vector_store %arg10[%swap3A_430, %swap3A_431], %broadcast_in_dim3A_20 {strides = array<i32>} : memref<48x128xf32, #tpu.memory_space<vmem>>, vector<16xf32>,
      %swap3A_433 = arith.index_cast %scan3A_411 : i32 to index
      %swap3A_434 = arith.constant 48 : index
      %swap3A_435 = tpu.vector_load %arg11[%swap3A_433, %swap3A_434] {strides = array<i32>} : memref<48x128xf32, #tpu.memory_space<vmem>>, vector<16xf32>,
      tpu.vector_store %arg11[%swap3A_433, %swap3A_434], %broadcast_in_dim3A_20 {strides = array<i32>} : memref<48x128xf32, #tpu.memory_space<vmem>>, vector<16xf32>,
      %swap3A_436 = arith.index_cast %scan3A_411 : i32 to index
      %swap3A_437 = arith.constant 64 : index
      %swap3A_438 = tpu.vector_load %arg10[%swap3A_436, %swap3A_437] {strides = array<i32>} : memref<48x128xf32, #tpu.memory_space<vmem>>, vector<16xf32>,
      tpu.vector_store %arg10[%swap3A_436, %swap3A_437], %broadcast_in_dim3A_20 {strides = array<i32>} : memref<48x128xf32, #tpu.memory_space<vmem>>, vector<16xf32>,
      %swap3A_439 = arith.index_cast %scan3A_411 : i32 to index
      %swap3A_440 = arith.constant 64 : index
      %swap3A_441 = tpu.vector_load %arg11[%swap3A_439, %swap3A_440] {strides = array<i32>} : memref<48x128xf32, #tpu.memory_space<vmem>>, vector<16xf32>,
      tpu.vector_store %arg11[%swap3A_439, %swap3A_440], %broadcast_in_dim3A_20 {strides = array<i32>} : memref<48x128xf32, #tpu.memory_space<vmem>>, vector<16xf32>,
      %swap3A_442 = arith.index_cast %scan3A_411 : i32 to index
      %swap3A_443 = arith.constant 80 : index
      %swap3A_444 = tpu.vector_load %arg10[%swap3A_442, %swap3A_443] {strides = array<i32>} : memref<48x128xf32, #tpu.memory_space<vmem>>, vector<16xf32>,
      tpu.vector_store %arg10[%swap3A_442, %swap3A_443], %broadcast_in_dim3A_20 {strides = array<i32>} : memref<48x128xf32, #tpu.memory_space<vmem>>, vector<16xf32>,
      %swap3A_445 = arith.index_cast %scan3A_411 : i32 to index
      %swap3A_446 = arith.constant 80 : index
      %swap3A_447 = tpu.vector_load %arg11[%swap3A_445, %swap3A_446] {strides = array<i32>} : memref<48x128xf32, #tpu.memory_space<vmem>>, vector<16xf32>,
      tpu.vector_store %arg11[%swap3A_445, %swap3A_446], %broadcast_in_dim3A_20 {strides = array<i32>} : memref<48x128xf32, #tpu.memory_space<vmem>>, vector<16xf32>,
      %swap3A_448 = arith.index_cast %scan3A_411 : i32 to index
      %swap3A_449 = arith.constant 96 : index
      %swap3A_450 = tpu.vector_load %arg10[%swap3A_448, %swap3A_449] {strides = array<i32>} : memref<48x128xf32, #tpu.memory_space<vmem>>, vector<16xf32>,
      tpu.vector_store %arg10[%swap3A_448, %swap3A_449], %broadcast_in_dim3A_20 {strides = array<i32>} : memref<48x128xf32, #tpu.memory_space<vmem>>, vector<16xf32>,
      %swap3A_451 = arith.index_cast %scan3A_411 : i32 to index
      %swap3A_452 = arith.constant 96 : index
      %swap3A_453 = tpu.vector_load %arg11[%swap3A_451, %swap3A_452] {strides = array<i32>} : memref<48x128xf32, #tpu.memory_space<vmem>>, vector<16xf32>,
      tpu.vector_store %arg11[%swap3A_451, %swap3A_452], %broadcast_in_dim3A_20 {strides = array<i32>} : memref<48x128xf32, #tpu.memory_space<vmem>>, vector<16xf32>,
      %swap3A_454 = arith.index_cast %scan3A_411 : i32 to index
      %swap3A_455 = arith.constant 112 : index
      %swap3A_456 = tpu.vector_load %arg10[%swap3A_454, %swap3A_455] {strides = array<i32>} : memref<48x128xf32, #tpu.memory_space<vmem>>, vector<16xf32>,
      tpu.vector_store %arg10[%swap3A_454, %swap3A_455], %broadcast_in_dim3A_20 {strides = array<i32>} : memref<48x128xf32, #tpu.memory_space<vmem>>, vector<16xf32>,
      %swap3A_457 = arith.index_cast %scan3A_411 : i32 to index
      %swap3A_458 = arith.constant 112 : index
      %swap3A_459 = tpu.vector_load %arg11[%swap3A_457, %swap3A_458] {strides = array<i32>} : memref<48x128xf32, #tpu.memory_space<vmem>>, vector<16xf32>,
      tpu.vector_store %arg11[%swap3A_457, %swap3A_458], %broadcast_in_dim3A_20 {strides = array<i32>} : memref<48x128xf32, #tpu.memory_space<vmem>>, vector<16xf32>,
    }
    %scan3A_25 = arith.constant 48 : i32
    %iota3A = tpu.iota {dimensions = array<i32: 0>} : vector<16xi32>
    %add3A = arith.constant 0 : i32
    %add3A_26 = vector.broadcast %add3A : i32 to vector<16xi32>
    %add3A_27 = arith.addi %iota3A, %add3A_26 : vector<16xi32>
    %swap3A = arith.constant 0 : index
    %swap3A_28 = tpu.vector_load %arg16[%swap3A] {strides = array<i32>} : memref<48xi32, #tpu.memory_space<vmem>>, vector<16xi32>,
    tpu.vector_store %arg16[%swap3A], %add3A_27 {strides = array<i32>} : memref<48xi32, #tpu.memory_space<vmem>>, vector<16xi32>,
    %add3A_29 = arith.constant 16 : i32
    %add3A_30 = vector.broadcast %add3A_29 : i32 to vector<16xi32>
    %add3A_31 = arith.addi %iota3A, %add3A_30 : vector<16xi32>
    %swap3A_32 = arith.constant 16 : index
    %swap3A_33 = tpu.vector_load %arg16[%swap3A_32] {strides = array<i32>} : memref<48xi32, #tpu.memory_space<vmem>>, vector<16xi32>,
    tpu.vector_store %arg16[%swap3A_32], %add3A_31 {strides = array<i32>} : memref<48xi32, #tpu.memory_space<vmem>>, vector<16xi32>,
    %add3A_34 = arith.constant 32 : i32
    %add3A_35 = vector.broadcast %add3A_34 : i32 to vector<16xi32>
    %add3A_36 = arith.addi %iota3A, %add3A_35 : vector<16xi32>
    %swap3A_37 = arith.constant 32 : index
    %swap3A_38 = tpu.vector_load %arg16[%swap3A_37] {strides = array<i32>} : memref<48xi32, #tpu.memory_space<vmem>>, vector<16xi32>,
    tpu.vector_store %arg16[%swap3A_37], %add3A_36 {strides = array<i32>} : memref<48xi32, #tpu.memory_space<vmem>>, vector<16xi32>,
    %eq3A_39 = arith.constant 0 : i32
    %eq3A_40 = arith.cmpi eq, %arg1, %eq3A_39 : i32
    %convert_element_type3A = arith.extui %eq3A_40 : i1 to i32
    %cond3A = arith.constant 0 : i32
    %cond3A_41 = arith.cmpi ne, %convert_element_type3A, %cond3A : i32
    scf.if %cond3A_41 {
      "tpu.region"() ({
        %run_scoped3A = tpu.sem_alloc : memref<!tpu.dma_semaphore, #tpu.memory_space<semaphore_mem>>
        tpu.enqueue_dma source(%arg10 : memref<48x128xf32, #tpu.memory_space<vmem>>) target(%arg18 : memref<48x128xf32, #tpu.memory_space<vmem_shared>>) target_semaphore(%run_scoped3A : memref<!tpu.dma_semaphore, #tpu.memory_space<semaphore_mem>>)
        tpu.wait_dma2 semaphore(%run_scoped3A : memref<!tpu.dma_semaphore, #tpu.memory_space<semaphore_mem>>) src(%arg10 : memref<48x128xf32, #tpu.memory_space<vmem>>) dst(%arg18 : memref<48x128xf32, #tpu.memory_space<vmem_shared>>)
        tpu.yield
      }) : () -> ()
      "tpu.region"() ({
        %run_scoped3A = tpu.sem_alloc : memref<!tpu.dma_semaphore, #tpu.memory_space<semaphore_mem>>
        tpu.enqueue_dma source(%arg11 : memref<48x128xf32, #tpu.memory_space<vmem>>) target(%arg19 : memref<48x128xf32, #tpu.memory_space<vmem_shared>>) target_semaphore(%run_scoped3A : memref<!tpu.dma_semaphore, #tpu.memory_space<semaphore_mem>>)
        tpu.wait_dma2 semaphore(%run_scoped3A : memref<!tpu.dma_semaphore, #tpu.memory_space<semaphore_mem>>) src(%arg11 : memref<48x128xf32, #tpu.memory_space<vmem>>) dst(%arg19 : memref<48x128xf32, #tpu.memory_space<vmem_shared>>)
        tpu.yield
      }) : () -> ()
    } else {
    }
    "tpu.trace_stop"() : () -> ()
    %barrier3A = arith.constant 0 : index
    tpu.barrier barrier_id(%barrier3A)
    "tpu.trace_start"() <{level = 10 : i32, message = "stage_wait"}> : () -> ()
    %dma_wait3A = arith.constant 0 : i32
    %dma_wait3A_42 = tpu.memref_slice %arg7[%dma_wait3A] <%select_n3A> : memref<6272xf32, #tpu.memory_space<vmem>> -> memref<?xf32, #tpu.memory_space<vmem>>
    %dma_wait3A_43 = tpu.memref_slice %arg2[%mul3A_0] <%select_n3A> : memref<100000xf32, #tpu.memory_space<hbm>> -> memref<?xf32, #tpu.memory_space<hbm>>
    %dma_wait3A_44 = arith.constant 0 : i32
    %dma_wait3A_45 = tpu.memref_slice %arg7[%dma_wait3A_44] <%select_n3A> : memref<6272xf32, #tpu.memory_space<vmem>> -> memref<?xf32, #tpu.memory_space<vmem>>
    %dma_wait3A_46 = tpu.memref_slice %arg2[%mul3A_0] <%select_n3A> : memref<100000xf32, #tpu.memory_space<hbm>> -> memref<?xf32, #tpu.memory_space<hbm>>
    tpu.wait_dma2 semaphore(%arg21 : memref<!tpu.dma_semaphore, #tpu.memory_space<semaphore_mem>>) src(%dma_wait3A_46 : memref<?xf32, #tpu.memory_space<hbm>>) dst(%dma_wait3A_45 : memref<?xf32, #tpu.memory_space<vmem>>)
    %dma_wait3A_47 = arith.constant 0 : i32
    %dma_wait3A_48 = tpu.memref_slice %arg8[%dma_wait3A_47] <%select_n3A> : memref<6272xf32, #tpu.memory_space<vmem>> -> memref<?xf32, #tpu.memory_space<vmem>>
    %dma_wait3A_49 = tpu.memref_slice %arg3[%mul3A_0] <%select_n3A> : memref<100000xf32, #tpu.memory_space<hbm>> -> memref<?xf32, #tpu.memory_space<hbm>>
    %dma_wait3A_50 = arith.constant 0 : i32
    %dma_wait3A_51 = tpu.memref_slice %arg8[%dma_wait3A_50] <%select_n3A> : memref<6272xf32, #tpu.memory_space<vmem>> -> memref<?xf32, #tpu.memory_space<vmem>>
    %dma_wait3A_52 = tpu.memref_slice %arg3[%mul3A_0] <%select_n3A> : memref<100000xf32, #tpu.memory_space<hbm>> -> memref<?xf32, #tpu.memory_space<hbm>>
    tpu.wait_dma2 semaphore(%arg21 : memref<!tpu.dma_semaphore, #tpu.memory_space<semaphore_mem>>) src(%dma_wait3A_52 : memref<?xf32, #tpu.memory_space<hbm>>) dst(%dma_wait3A_51 : memref<?xf32, #tpu.memory_space<vmem>>)
    %dma_wait3A_53 = arith.constant 0 : i32
    %dma_wait3A_54 = tpu.memref_slice %arg6[%dma_wait3A_53] <%select_n3A> : memref<6288xi32, #tpu.memory_space<vmem>> -> memref<?xi32, #tpu.memory_space<vmem>>
    %dma_wait3A_55 = tpu.memref_slice %arg4[%mul3A_0] <%select_n3A> : memref<100000xi32, #tpu.memory_space<hbm>> -> memref<?xi32, #tpu.memory_space<hbm>>
    %dma_wait3A_56 = arith.constant 0 : i32
    %dma_wait3A_57 = tpu.memref_slice %arg6[%dma_wait3A_56] <%select_n3A> : memref<6288xi32, #tpu.memory_space<vmem>> -> memref<?xi32, #tpu.memory_space<vmem>>
    %dma_wait3A_58 = tpu.memref_slice %arg4[%mul3A_0] <%select_n3A> : memref<100000xi32, #tpu.memory_space<hbm>> -> memref<?xi32, #tpu.memory_space<hbm>>
    tpu.wait_dma2 semaphore(%arg21 : memref<!tpu.dma_semaphore, #tpu.memory_space<semaphore_mem>>) src(%dma_wait3A_58 : memref<?xi32, #tpu.memory_space<hbm>>) dst(%dma_wait3A_57 : memref<?xi32, #tpu.memory_space<vmem>>)
    %broadcast_in_dim3A_59 = arith.constant 5000 : i32
    %broadcast_in_dim3A_60 = vector.broadcast %broadcast_in_dim3A_59 : i32 to vector<16xi32>
    %swap3A_61 = arith.constant 6272 : index
    %swap3A_62 = tpu.vector_load %arg6[%swap3A_61] {strides = array<i32>} : memref<6288xi32, #tpu.memory_space<vmem>>, vector<16xi32>,
    tpu.vector_store %arg6[%swap3A_61], %broadcast_in_dim3A_60 {strides = array<i32>} : memref<6288xi32, #tpu.memory_space<vmem>>, vector<16xi32>,
    %convert_element_type3A_63 = arith.extui %eq3A_1 : i1 to i32
    %cond3A_64 = arith.constant 0 : i32
    %cond3A_65 = arith.cmpi ne, %convert_element_type3A_63, %cond3A_64 : i32
    scf.if %cond3A_65 {
      %broadcast_in_dim3A_411 = arith.constant 1.000000e+00 : f32
      %broadcast_in_dim3A_412 = vector.broadcast %broadcast_in_dim3A_411 : f32 to vector<16xf32>
      %swap3A_413 = arith.constant 5920 : index
      %swap3A_414 = tpu.vector_load %arg7[%swap3A_413] {strides = array<i32>} : memref<6272xf32, #tpu.memory_space<vmem>>, vector<16xf32>,
      tpu.vector_store %arg7[%swap3A_413], %broadcast_in_dim3A_20 {strides = array<i32>} : memref<6272xf32, #tpu.memory_space<vmem>>, vector<16xf32>,
      %swap3A_415 = arith.constant 5920 : index
      %swap3A_416 = tpu.vector_load %arg8[%swap3A_415] {strides = array<i32>} : memref<6272xf32, #tpu.memory_space<vmem>>, vector<16xf32>,
      tpu.vector_store %arg8[%swap3A_415], %broadcast_in_dim3A_412 {strides = array<i32>} : memref<6272xf32, #tpu.memory_space<vmem>>, vector<16xf32>,
      %swap3A_417 = arith.constant 5920 : index
      %swap3A_418 = tpu.vector_load %arg6[%swap3A_417] {strides = array<i32>} : memref<6288xi32, #tpu.memory_space<vmem>>, vector<16xi32>,
      tpu.vector_store %arg6[%swap3A_417], %broadcast_in_dim3A_60 {strides = array<i32>} : memref<6288xi32, #tpu.memory_space<vmem>>, vector<16xi32>,
      %swap3A_419 = arith.constant 5936 : index
      %swap3A_420 = tpu.vector_load %arg7[%swap3A_419] {strides = array<i32>} : memref<6272xf32, #tpu.memory_space<vmem>>, vector<16xf32>,
      tpu.vector_store %arg7[%swap3A_419], %broadcast_in_dim3A_20 {strides = array<i32>} : memref<6272xf32, #tpu.memory_space<vmem>>, vector<16xf32>,
      %swap3A_421 = arith.constant 5936 : index
      %swap3A_422 = tpu.vector_load %arg8[%swap3A_421] {strides = array<i32>} : memref<6272xf32, #tpu.memory_space<vmem>>, vector<16xf32>,
      tpu.vector_store %arg8[%swap3A_421], %broadcast_in_dim3A_412 {strides = array<i32>} : memref<6272xf32, #tpu.memory_space<vmem>>, vector<16xf32>,
      %swap3A_423 = arith.constant 5936 : index
      %swap3A_424 = tpu.vector_load %arg6[%swap3A_423] {strides = array<i32>} : memref<6288xi32, #tpu.memory_space<vmem>>, vector<16xi32>,
      tpu.vector_store %arg6[%swap3A_423], %broadcast_in_dim3A_60 {strides = array<i32>} : memref<6288xi32, #tpu.memory_space<vmem>>, vector<16xi32>,
      %swap3A_425 = arith.constant 5952 : index
      %swap3A_426 = tpu.vector_load %arg7[%swap3A_425] {strides = array<i32>} : memref<6272xf32, #tpu.memory_space<vmem>>, vector<16xf32>,
      tpu.vector_store %arg7[%swap3A_425], %broadcast_in_dim3A_20 {strides = array<i32>} : memref<6272xf32, #tpu.memory_space<vmem>>, vector<16xf32>,
      %swap3A_427 = arith.constant 5952 : index
      %swap3A_428 = tpu.vector_load %arg8[%swap3A_427] {strides = array<i32>} : memref<6272xf32, #tpu.memory_space<vmem>>, vector<16xf32>,
      tpu.vector_store %arg8[%swap3A_427], %broadcast_in_dim3A_412 {strides = array<i32>} : memref<6272xf32, #tpu.memory_space<vmem>>, vector<16xf32>,
      %swap3A_429 = arith.constant 5952 : index
      %swap3A_430 = tpu.vector_load %arg6[%swap3A_429] {strides = array<i32>} : memref<6288xi32, #tpu.memory_space<vmem>>, vector<16xi32>,
      tpu.vector_store %arg6[%swap3A_429], %broadcast_in_dim3A_60 {strides = array<i32>} : memref<6288xi32, #tpu.memory_space<vmem>>, vector<16xi32>,
      %swap3A_431 = arith.constant 5968 : index
      %swap3A_432 = tpu.vector_load %arg7[%swap3A_431] {strides = array<i32>} : memref<6272xf32, #tpu.memory_space<vmem>>, vector<16xf32>,
      tpu.vector_store %arg7[%swap3A_431], %broadcast_in_dim3A_20 {strides = array<i32>} : memref<6272xf32, #tpu.memory_space<vmem>>, vector<16xf32>,
      %swap3A_433 = arith.constant 5968 : index
      %swap3A_434 = tpu.vector_load %arg8[%swap3A_433] {strides = array<i32>} : memref<6272xf32, #tpu.memory_space<vmem>>, vector<16xf32>,
      tpu.vector_store %arg8[%swap3A_433], %broadcast_in_dim3A_412 {strides = array<i32>} : memref<6272xf32, #tpu.memory_space<vmem>>, vector<16xf32>,
      %swap3A_435 = arith.constant 5968 : index
      %swap3A_436 = tpu.vector_load %arg6[%swap3A_435] {strides = array<i32>} : memref<6288xi32, #tpu.memory_space<vmem>>, vector<16xi32>,
      tpu.vector_store %arg6[%swap3A_435], %broadcast_in_dim3A_60 {strides = array<i32>} : memref<6288xi32, #tpu.memory_space<vmem>>, vector<16xi32>,
      %swap3A_437 = arith.constant 5984 : index
      %swap3A_438 = tpu.vector_load %arg7[%swap3A_437] {strides = array<i32>} : memref<6272xf32, #tpu.memory_space<vmem>>, vector<16xf32>,
      tpu.vector_store %arg7[%swap3A_437], %broadcast_in_dim3A_20 {strides = array<i32>} : memref<6272xf32, #tpu.memory_space<vmem>>, vector<16xf32>,
      %swap3A_439 = arith.constant 5984 : index
      %swap3A_440 = tpu.vector_load %arg8[%swap3A_439] {strides = array<i32>} : memref<6272xf32, #tpu.memory_space<vmem>>, vector<16xf32>,
      tpu.vector_store %arg8[%swap3A_439], %broadcast_in_dim3A_412 {strides = array<i32>} : memref<6272xf32, #tpu.memory_space<vmem>>, vector<16xf32>,
      %swap3A_441 = arith.constant 5984 : index
      %swap3A_442 = tpu.vector_load %arg6[%swap3A_441] {strides = array<i32>} : memref<6288xi32, #tpu.memory_space<vmem>>, vector<16xi32>,
      tpu.vector_store %arg6[%swap3A_441], %broadcast_in_dim3A_60 {strides = array<i32>} : memref<6288xi32, #tpu.memory_space<vmem>>, vector<16xi32>,
      %swap3A_443 = arith.constant 6000 : index
      %swap3A_444 = tpu.vector_load %arg7[%swap3A_443] {strides = array<i32>} : memref<6272xf32, #tpu.memory_space<vmem>>, vector<16xf32>,
      tpu.vector_store %arg7[%swap3A_443], %broadcast_in_dim3A_20 {strides = array<i32>} : memref<6272xf32, #tpu.memory_space<vmem>>, vector<16xf32>,
      %swap3A_445 = arith.constant 6000 : index
      %swap3A_446 = tpu.vector_load %arg8[%swap3A_445] {strides = array<i32>} : memref<6272xf32, #tpu.memory_space<vmem>>, vector<16xf32>,
      tpu.vector_store %arg8[%swap3A_445], %broadcast_in_dim3A_412 {strides = array<i32>} : memref<6272xf32, #tpu.memory_space<vmem>>, vector<16xf32>,
      %swap3A_447 = arith.constant 6000 : index
      %swap3A_448 = tpu.vector_load %arg6[%swap3A_447] {strides = array<i32>} : memref<6288xi32, #tpu.memory_space<vmem>>, vector<16xi32>,
      tpu.vector_store %arg6[%swap3A_447], %broadcast_in_dim3A_60 {strides = array<i32>} : memref<6288xi32, #tpu.memory_space<vmem>>, vector<16xi32>,
      %swap3A_449 = arith.constant 6016 : index
      %swap3A_450 = tpu.vector_load %arg7[%swap3A_449] {strides = array<i32>} : memref<6272xf32, #tpu.memory_space<vmem>>, vector<16xf32>,
      tpu.vector_store %arg7[%swap3A_449], %broadcast_in_dim3A_20 {strides = array<i32>} : memref<6272xf32, #tpu.memory_space<vmem>>, vector<16xf32>,
      %swap3A_451 = arith.constant 6016 : index
      %swap3A_452 = tpu.vector_load %arg8[%swap3A_451] {strides = array<i32>} : memref<6272xf32, #tpu.memory_space<vmem>>, vector<16xf32>,
      tpu.vector_store %arg8[%swap3A_451], %broadcast_in_dim3A_412 {strides = array<i32>} : memref<6272xf32, #tpu.memory_space<vmem>>, vector<16xf32>,
      %swap3A_453 = arith.constant 6016 : index
      %swap3A_454 = tpu.vector_load %arg6[%swap3A_453] {strides = array<i32>} : memref<6288xi32, #tpu.memory_space<vmem>>, vector<16xi32>,
      tpu.vector_store %arg6[%swap3A_453], %broadcast_in_dim3A_60 {strides = array<i32>} : memref<6288xi32, #tpu.memory_space<vmem>>, vector<16xi32>,
      %swap3A_455 = arith.constant 6032 : index
      %swap3A_456 = tpu.vector_load %arg7[%swap3A_455] {strides = array<i32>} : memref<6272xf32, #tpu.memory_space<vmem>>, vector<16xf32>,
      tpu.vector_store %arg7[%swap3A_455], %broadcast_in_dim3A_20 {strides = array<i32>} : memref<6272xf32, #tpu.memory_space<vmem>>, vector<16xf32>,
      %swap3A_457 = arith.constant 6032 : index
      %swap3A_458 = tpu.vector_load %arg8[%swap3A_457] {strides = array<i32>} : memref<6272xf32, #tpu.memory_space<vmem>>, vector<16xf32>,
      tpu.vector_store %arg8[%swap3A_457], %broadcast_in_dim3A_412 {strides = array<i32>} : memref<6272xf32, #tpu.memory_space<vmem>>, vector<16xf32>,
      %swap3A_459 = arith.constant 6032 : index
      %swap3A_460 = tpu.vector_load %arg6[%swap3A_459] {strides = array<i32>} : memref<6288xi32, #tpu.memory_space<vmem>>, vector<16xi32>,
      tpu.vector_store %arg6[%swap3A_459], %broadcast_in_dim3A_60 {strides = array<i32>} : memref<6288xi32, #tpu.memory_space<vmem>>, vector<16xi32>,
      %swap3A_461 = arith.constant 6048 : index
      %swap3A_462 = tpu.vector_load %arg7[%swap3A_461] {strides = array<i32>} : memref<6272xf32, #tpu.memory_space<vmem>>, vector<16xf32>,
      tpu.vector_store %arg7[%swap3A_461], %broadcast_in_dim3A_20 {strides = array<i32>} : memref<6272xf32, #tpu.memory_space<vmem>>, vector<16xf32>,
      %swap3A_463 = arith.constant 6048 : index
      %swap3A_464 = tpu.vector_load %arg8[%swap3A_463] {strides = array<i32>} : memref<6272xf32, #tpu.memory_space<vmem>>, vector<16xf32>,
      tpu.vector_store %arg8[%swap3A_463], %broadcast_in_dim3A_412 {strides = array<i32>} : memref<6272xf32, #tpu.memory_space<vmem>>, vector<16xf32>,
      %swap3A_465 = arith.constant 6048 : index
      %swap3A_466 = tpu.vector_load %arg6[%swap3A_465] {strides = array<i32>} : memref<6288xi32, #tpu.memory_space<vmem>>, vector<16xi32>,
      tpu.vector_store %arg6[%swap3A_465], %broadcast_in_dim3A_60 {strides = array<i32>} : memref<6288xi32, #tpu.memory_space<vmem>>, vector<16xi32>,
      %swap3A_467 = arith.constant 6064 : index
      %swap3A_468 = tpu.vector_load %arg7[%swap3A_467] {strides = array<i32>} : memref<6272xf32, #tpu.memory_space<vmem>>, vector<16xf32>,
      tpu.vector_store %arg7[%swap3A_467], %broadcast_in_dim3A_20 {strides = array<i32>} : memref<6272xf32, #tpu.memory_space<vmem>>, vector<16xf32>,
      %swap3A_469 = arith.constant 6064 : index
      %swap3A_470 = tpu.vector_load %arg8[%swap3A_469] {strides = array<i32>} : memref<6272xf32, #tpu.memory_space<vmem>>, vector<16xf32>,
      tpu.vector_store %arg8[%swap3A_469], %broadcast_in_dim3A_412 {strides = array<i32>} : memref<6272xf32, #tpu.memory_space<vmem>>, vector<16xf32>,
      %swap3A_471 = arith.constant 6064 : index
      %swap3A_472 = tpu.vector_load %arg6[%swap3A_471] {strides = array<i32>} : memref<6288xi32, #tpu.memory_space<vmem>>, vector<16xi32>,
      tpu.vector_store %arg6[%swap3A_471], %broadcast_in_dim3A_60 {strides = array<i32>} : memref<6288xi32, #tpu.memory_space<vmem>>, vector<16xi32>,
      %swap3A_473 = arith.constant 6080 : index
      %swap3A_474 = tpu.vector_load %arg7[%swap3A_473] {strides = array<i32>} : memref<6272xf32, #tpu.memory_space<vmem>>, vector<16xf32>,
      tpu.vector_store %arg7[%swap3A_473], %broadcast_in_dim3A_20 {strides = array<i32>} : memref<6272xf32, #tpu.memory_space<vmem>>, vector<16xf32>,
      %swap3A_475 = arith.constant 6080 : index
      %swap3A_476 = tpu.vector_load %arg8[%swap3A_475] {strides = array<i32>} : memref<6272xf32, #tpu.memory_space<vmem>>, vector<16xf32>,
      tpu.vector_store %arg8[%swap3A_475], %broadcast_in_dim3A_412 {strides = array<i32>} : memref<6272xf32, #tpu.memory_space<vmem>>, vector<16xf32>,
      %swap3A_477 = arith.constant 6080 : index
      %swap3A_478 = tpu.vector_load %arg6[%swap3A_477] {strides = array<i32>} : memref<6288xi32, #tpu.memory_space<vmem>>, vector<16xi32>,
      tpu.vector_store %arg6[%swap3A_477], %broadcast_in_dim3A_60 {strides = array<i32>} : memref<6288xi32, #tpu.memory_space<vmem>>, vector<16xi32>,
      %swap3A_479 = arith.constant 6096 : index
      %swap3A_480 = tpu.vector_load %arg7[%swap3A_479] {strides = array<i32>} : memref<6272xf32, #tpu.memory_space<vmem>>, vector<16xf32>,
      tpu.vector_store %arg7[%swap3A_479], %broadcast_in_dim3A_20 {strides = array<i32>} : memref<6272xf32, #tpu.memory_space<vmem>>, vector<16xf32>,
      %swap3A_481 = arith.constant 6096 : index
      %swap3A_482 = tpu.vector_load %arg8[%swap3A_481] {strides = array<i32>} : memref<6272xf32, #tpu.memory_space<vmem>>, vector<16xf32>,
      tpu.vector_store %arg8[%swap3A_481], %broadcast_in_dim3A_412 {strides = array<i32>} : memref<6272xf32, #tpu.memory_space<vmem>>, vector<16xf32>,
      %swap3A_483 = arith.constant 6096 : index
      %swap3A_484 = tpu.vector_load %arg6[%swap3A_483] {strides = array<i32>} : memref<6288xi32, #tpu.memory_space<vmem>>, vector<16xi32>,
      tpu.vector_store %arg6[%swap3A_483], %broadcast_in_dim3A_60 {strides = array<i32>} : memref<6288xi32, #tpu.memory_space<vmem>>, vector<16xi32>,
      %swap3A_485 = arith.constant 6112 : index
      %swap3A_486 = tpu.vector_load %arg7[%swap3A_485] {strides = array<i32>} : memref<6272xf32, #tpu.memory_space<vmem>>, vector<16xf32>,
      tpu.vector_store %arg7[%swap3A_485], %broadcast_in_dim3A_20 {strides = array<i32>} : memref<6272xf32, #tpu.memory_space<vmem>>, vector<16xf32>,
      %swap3A_487 = arith.constant 6112 : index
      %swap3A_488 = tpu.vector_load %arg8[%swap3A_487] {strides = array<i32>} : memref<6272xf32, #tpu.memory_space<vmem>>, vector<16xf32>,
      tpu.vector_store %arg8[%swap3A_487], %broadcast_in_dim3A_412 {strides = array<i32>} : memref<6272xf32, #tpu.memory_space<vmem>>, vector<16xf32>,
      %swap3A_489 = arith.constant 6112 : index
      %swap3A_490 = tpu.vector_load %arg6[%swap3A_489] {strides = array<i32>} : memref<6288xi32, #tpu.memory_space<vmem>>, vector<16xi32>,
      tpu.vector_store %arg6[%swap3A_489], %broadcast_in_dim3A_60 {strides = array<i32>} : memref<6288xi32, #tpu.memory_space<vmem>>, vector<16xi32>,
      %swap3A_491 = arith.constant 6128 : index
      %swap3A_492 = tpu.vector_load %arg7[%swap3A_491] {strides = array<i32>} : memref<6272xf32, #tpu.memory_space<vmem>>, vector<16xf32>,
      tpu.vector_store %arg7[%swap3A_491], %broadcast_in_dim3A_20 {strides = array<i32>} : memref<6272xf32, #tpu.memory_space<vmem>>, vector<16xf32>,
      %swap3A_493 = arith.constant 6128 : index
      %swap3A_494 = tpu.vector_load %arg8[%swap3A_493] {strides = array<i32>} : memref<6272xf32, #tpu.memory_space<vmem>>, vector<16xf32>,
      tpu.vector_store %arg8[%swap3A_493], %broadcast_in_dim3A_412 {strides = array<i32>} : memref<6272xf32, #tpu.memory_space<vmem>>, vector<16xf32>,
      %swap3A_495 = arith.constant 6128 : index
      %swap3A_496 = tpu.vector_load %arg6[%swap3A_495] {strides = array<i32>} : memref<6288xi32, #tpu.memory_space<vmem>>, vector<16xi32>,
      tpu.vector_store %arg6[%swap3A_495], %broadcast_in_dim3A_60 {strides = array<i32>} : memref<6288xi32, #tpu.memory_space<vmem>>, vector<16xi32>,
      %swap3A_497 = arith.constant 6144 : index
      %swap3A_498 = tpu.vector_load %arg7[%swap3A_497] {strides = array<i32>} : memref<6272xf32, #tpu.memory_space<vmem>>, vector<16xf32>,
      tpu.vector_store %arg7[%swap3A_497], %broadcast_in_dim3A_20 {strides = array<i32>} : memref<6272xf32, #tpu.memory_space<vmem>>, vector<16xf32>,
      %swap3A_499 = arith.constant 6144 : index
      %swap3A_500 = tpu.vector_load %arg8[%swap3A_499] {strides = array<i32>} : memref<6272xf32, #tpu.memory_space<vmem>>, vector<16xf32>,
      tpu.vector_store %arg8[%swap3A_499], %broadcast_in_dim3A_412 {strides = array<i32>} : memref<6272xf32, #tpu.memory_space<vmem>>, vector<16xf32>,
      %swap3A_501 = arith.constant 6144 : index
      %swap3A_502 = tpu.vector_load %arg6[%swap3A_501] {strides = array<i32>} : memref<6288xi32, #tpu.memory_space<vmem>>, vector<16xi32>,
      tpu.vector_store %arg6[%swap3A_501], %broadcast_in_dim3A_60 {strides = array<i32>} : memref<6288xi32, #tpu.memory_space<vmem>>, vector<16xi32>,
      %swap3A_503 = arith.constant 6160 : index
      %swap3A_504 = tpu.vector_load %arg7[%swap3A_503] {strides = array<i32>} : memref<6272xf32, #tpu.memory_space<vmem>>, vector<16xf32>,
      tpu.vector_store %arg7[%swap3A_503], %broadcast_in_dim3A_20 {strides = array<i32>} : memref<6272xf32, #tpu.memory_space<vmem>>, vector<16xf32>,
      %swap3A_505 = arith.constant 6160 : index
      %swap3A_506 = tpu.vector_load %arg8[%swap3A_505] {strides = array<i32>} : memref<6272xf32, #tpu.memory_space<vmem>>, vector<16xf32>,
      tpu.vector_store %arg8[%swap3A_505], %broadcast_in_dim3A_412 {strides = array<i32>} : memref<6272xf32, #tpu.memory_space<vmem>>, vector<16xf32>,
      %swap3A_507 = arith.constant 6160 : index
      %swap3A_508 = tpu.vector_load %arg6[%swap3A_507] {strides = array<i32>} : memref<6288xi32, #tpu.memory_space<vmem>>, vector<16xi32>,
      tpu.vector_store %arg6[%swap3A_507], %broadcast_in_dim3A_60 {strides = array<i32>} : memref<6288xi32, #tpu.memory_space<vmem>>, vector<16xi32>,
      %swap3A_509 = arith.constant 6176 : index
      %swap3A_510 = tpu.vector_load %arg7[%swap3A_509] {strides = array<i32>} : memref<6272xf32, #tpu.memory_space<vmem>>, vector<16xf32>,
      tpu.vector_store %arg7[%swap3A_509], %broadcast_in_dim3A_20 {strides = array<i32>} : memref<6272xf32, #tpu.memory_space<vmem>>, vector<16xf32>,
      %swap3A_511 = arith.constant 6176 : index
      %swap3A_512 = tpu.vector_load %arg8[%swap3A_511] {strides = array<i32>} : memref<6272xf32, #tpu.memory_space<vmem>>, vector<16xf32>,
      tpu.vector_store %arg8[%swap3A_511], %broadcast_in_dim3A_412 {strides = array<i32>} : memref<6272xf32, #tpu.memory_space<vmem>>, vector<16xf32>,
      %swap3A_513 = arith.constant 6176 : index
      %swap3A_514 = tpu.vector_load %arg6[%swap3A_513] {strides = array<i32>} : memref<6288xi32, #tpu.memory_space<vmem>>, vector<16xi32>,
      tpu.vector_store %arg6[%swap3A_513], %broadcast_in_dim3A_60 {strides = array<i32>} : memref<6288xi32, #tpu.memory_space<vmem>>, vector<16xi32>,
      %swap3A_515 = arith.constant 6192 : index
      %swap3A_516 = tpu.vector_load %arg7[%swap3A_515] {strides = array<i32>} : memref<6272xf32, #tpu.memory_space<vmem>>, vector<16xf32>,
      tpu.vector_store %arg7[%swap3A_515], %broadcast_in_dim3A_20 {strides = array<i32>} : memref<6272xf32, #tpu.memory_space<vmem>>, vector<16xf32>,
      %swap3A_517 = arith.constant 6192 : index
      %swap3A_518 = tpu.vector_load %arg8[%swap3A_517] {strides = array<i32>} : memref<6272xf32, #tpu.memory_space<vmem>>, vector<16xf32>,
      tpu.vector_store %arg8[%swap3A_517], %broadcast_in_dim3A_412 {strides = array<i32>} : memref<6272xf32, #tpu.memory_space<vmem>>, vector<16xf32>,
      %swap3A_519 = arith.constant 6192 : index
      %swap3A_520 = tpu.vector_load %arg6[%swap3A_519] {strides = array<i32>} : memref<6288xi32, #tpu.memory_space<vmem>>, vector<16xi32>,
      tpu.vector_store %arg6[%swap3A_519], %broadcast_in_dim3A_60 {strides = array<i32>} : memref<6288xi32, #tpu.memory_space<vmem>>, vector<16xi32>,
      %swap3A_521 = arith.constant 6208 : index
      %swap3A_522 = tpu.vector_load %arg7[%swap3A_521] {strides = array<i32>} : memref<6272xf32, #tpu.memory_space<vmem>>, vector<16xf32>,
      tpu.vector_store %arg7[%swap3A_521], %broadcast_in_dim3A_20 {strides = array<i32>} : memref<6272xf32, #tpu.memory_space<vmem>>, vector<16xf32>,
      %swap3A_523 = arith.constant 6208 : index
      %swap3A_524 = tpu.vector_load %arg8[%swap3A_523] {strides = array<i32>} : memref<6272xf32, #tpu.memory_space<vmem>>, vector<16xf32>,
      tpu.vector_store %arg8[%swap3A_523], %broadcast_in_dim3A_412 {strides = array<i32>} : memref<6272xf32, #tpu.memory_space<vmem>>, vector<16xf32>,
      %swap3A_525 = arith.constant 6208 : index
      %swap3A_526 = tpu.vector_load %arg6[%swap3A_525] {strides = array<i32>} : memref<6288xi32, #tpu.memory_space<vmem>>, vector<16xi32>,
      tpu.vector_store %arg6[%swap3A_525], %broadcast_in_dim3A_60 {strides = array<i32>} : memref<6288xi32, #tpu.memory_space<vmem>>, vector<16xi32>,
      %swap3A_527 = arith.constant 6224 : index
      %swap3A_528 = tpu.vector_load %arg7[%swap3A_527] {strides = array<i32>} : memref<6272xf32, #tpu.memory_space<vmem>>, vector<16xf32>,
      tpu.vector_store %arg7[%swap3A_527], %broadcast_in_dim3A_20 {strides = array<i32>} : memref<6272xf32, #tpu.memory_space<vmem>>, vector<16xf32>,
      %swap3A_529 = arith.constant 6224 : index
      %swap3A_530 = tpu.vector_load %arg8[%swap3A_529] {strides = array<i32>} : memref<6272xf32, #tpu.memory_space<vmem>>, vector<16xf32>,
      tpu.vector_store %arg8[%swap3A_529], %broadcast_in_dim3A_412 {strides = array<i32>} : memref<6272xf32, #tpu.memory_space<vmem>>, vector<16xf32>,
      %swap3A_531 = arith.constant 6224 : index
      %swap3A_532 = tpu.vector_load %arg6[%swap3A_531] {strides = array<i32>} : memref<6288xi32, #tpu.memory_space<vmem>>, vector<16xi32>,
      tpu.vector_store %arg6[%swap3A_531], %broadcast_in_dim3A_60 {strides = array<i32>} : memref<6288xi32, #tpu.memory_space<vmem>>, vector<16xi32>,
      %swap3A_533 = arith.constant 6240 : index
      %swap3A_534 = tpu.vector_load %arg7[%swap3A_533] {strides = array<i32>} : memref<6272xf32, #tpu.memory_space<vmem>>, vector<16xf32>,
      tpu.vector_store %arg7[%swap3A_533], %broadcast_in_dim3A_20 {strides = array<i32>} : memref<6272xf32, #tpu.memory_space<vmem>>, vector<16xf32>,
      %swap3A_535 = arith.constant 6240 : index
      %swap3A_536 = tpu.vector_load %arg8[%swap3A_535] {strides = array<i32>} : memref<6272xf32, #tpu.memory_space<vmem>>, vector<16xf32>,
      tpu.vector_store %arg8[%swap3A_535], %broadcast_in_dim3A_412 {strides = array<i32>} : memref<6272xf32, #tpu.memory_space<vmem>>, vector<16xf32>,
      %swap3A_537 = arith.constant 6240 : index
      %swap3A_538 = tpu.vector_load %arg6[%swap3A_537] {strides = array<i32>} : memref<6288xi32, #tpu.memory_space<vmem>>, vector<16xi32>,
      tpu.vector_store %arg6[%swap3A_537], %broadcast_in_dim3A_60 {strides = array<i32>} : memref<6288xi32, #tpu.memory_space<vmem>>, vector<16xi32>,
      %swap3A_539 = arith.constant 6256 : index
      %swap3A_540 = tpu.vector_load %arg7[%swap3A_539] {strides = array<i32>} : memref<6272xf32, #tpu.memory_space<vmem>>, vector<16xf32>,
      tpu.vector_store %arg7[%swap3A_539], %broadcast_in_dim3A_20 {strides = array<i32>} : memref<6272xf32, #tpu.memory_space<vmem>>, vector<16xf32>,
      %swap3A_541 = arith.constant 6256 : index
      %swap3A_542 = tpu.vector_load %arg8[%swap3A_541] {strides = array<i32>} : memref<6272xf32, #tpu.memory_space<vmem>>, vector<16xf32>,
      tpu.vector_store %arg8[%swap3A_541], %broadcast_in_dim3A_412 {strides = array<i32>} : memref<6272xf32, #tpu.memory_space<vmem>>, vector<16xf32>,
      %swap3A_543 = arith.constant 6256 : index
      %swap3A_544 = tpu.vector_load %arg6[%swap3A_543] {strides = array<i32>} : memref<6288xi32, #tpu.memory_space<vmem>>, vector<16xi32>,
      tpu.vector_store %arg6[%swap3A_543], %broadcast_in_dim3A_60 {strides = array<i32>} : memref<6288xi32, #tpu.memory_space<vmem>>, vector<16xi32>,
    } else {
    }
    %jit3A_66 = arith.constant 92 : i32
    %jit3A_67 = arith.constant 98 : i32
    "tpu.trace_stop"() : () -> ()
    %select_n3A_68 = arith.select %eq3A_1, %jit3A_66, %jit3A_67 : i32
    %while3A = arith.constant 0 : i32
    %while3A_69 = arith.constant 0 : i32
    "tpu.trace_start"() <{level = 10 : i32, message = "acc_loop"}> : () -> ()
    %while3A_70 = arith.subi %select_n3A_68, %while3A_69 : i32
    %while3A_71 = arith.addi %while3A_69, %while3A_70 : i32
    %while3A_72 = arith.constant 1 : i32
    %while3A_73 = arith.divsi %while3A_70, %while3A_72 : i32
    %while3A_74 = arith.muli %while3A_73, %while3A_72 : i32
    %while3A_75 = arith.addi %while3A_69, %while3A_74 : i32
    %while3A_76 = arith.constant 1 : i32
    scf.for %while3A_411 = %while3A_69 to %while3A_75 step %while3A_76  : i32 {
      %mul3A_412 = arith.constant 64 : i32
      %mul3A_413 = arith.muli %while3A_411, %mul3A_412 : i32
      %add3A_414 = arith.constant 0 : i32
      %add3A_415 = arith.addi %mul3A_413, %add3A_414 : i32
      %get3A_416 = arith.index_cast %add3A_415 : i32 to index
      %get3A_417 = tpu.vector_load %arg6[%get3A_416] {strides = array<i32>} : memref<6288xi32, #tpu.memory_space<vmem>>, vector<16xi32>,
      %get3A_418 = arith.index_cast %add3A_415 : i32 to index
      %get3A_419 = tpu.vector_load %arg7[%get3A_418] {strides = array<i32>} : memref<6272xf32, #tpu.memory_space<vmem>>, vector<16xf32>,
      %get3A_420 = arith.index_cast %add3A_415 : i32 to index
      %get3A_421 = tpu.vector_load %arg8[%get3A_420] {strides = array<i32>} : memref<6272xf32, #tpu.memory_space<vmem>>, vector<16xf32>,
      %div3A_422 = arith.constant 1.000000e+00 : f32
      %div3A_423 = vector.broadcast %div3A_422 : f32 to vector<16xf32>
      %div3A_424 = arith.divf %div3A_423, %get3A_421 : vector<16xf32>
      %mul3A_425 = arith.mulf %get3A_419, %div3A_424 : vector<16xf32>
      %swap3A_426 = arith.index_cast %add3A_415 : i32 to index
      %swap3A_427 = tpu.vector_load %arg9[%swap3A_426] {strides = array<i32>} : memref<6272xf32, #tpu.memory_space<vmem>>, vector<16xf32>,
      tpu.vector_store %arg9[%swap3A_426], %div3A_424 {strides = array<i32>} : memref<6272xf32, #tpu.memory_space<vmem>>, vector<16xf32>,
      %add3A_428 = arith.constant 1 : i32
      %add3A_429 = arith.addi %add3A_415, %add3A_428 : i32
      %get3A_430 = arith.index_cast %add3A_429 : i32 to index
      %get3A_431 = tpu.vector_load %arg6[%get3A_430] {strides = array<i32>} : memref<6288xi32, #tpu.memory_space<vmem>>, vector<16xi32>,
      %ne3A = arith.cmpi ne, %get3A_417, %get3A_431 : vector<16xi32>
      %eq3A_432 = arith.constant 15 : i32
      %eq3A_433 = vector.broadcast %eq3A_432 : i32 to vector<16xi32>
      %eq3A_434 = arith.cmpi eq, %iota3A, %eq3A_433 : vector<16xi32>
      %or3A = arith.ori %ne3A, %eq3A_434 : vector<16xi1>
      %ne3A_435 = arith.constant 15 : i32
      %ne3A_436 = vector.broadcast %ne3A_435 : i32 to vector<16xi32>
      %ne3A_437 = arith.cmpi ne, %iota3A, %ne3A_436 : vector<16xi32>
      %and3A = arith.andi %ne3A, %ne3A_437 : vector<16xi1>
      %broadcast_in_dim3A_438 = arith.constant true
      %broadcast_in_dim3A_439 = vector.broadcast %broadcast_in_dim3A_438 : i1 to vector<16xi1>
      %masked_cumsum3A = tpu.scan <sum>, %div3A_424 masked %broadcast_in_dim3A_439 : vector<16xf32>, vector<16xi1> -> vector<16xf32>
      %broadcast_in_dim3A_440 = arith.constant true
      %broadcast_in_dim3A_441 = vector.broadcast %broadcast_in_dim3A_440 : i1 to vector<16xi1>
      %masked_cumsum3A_442 = tpu.scan <sum>, %mul3A_425 masked %broadcast_in_dim3A_441 : vector<16xf32>, vector<16xi1> -> vector<16xf32>
      %shift_right_logical3A = arith.constant 7 : i32
      %shift_right_logical3A_443 = vector.broadcast %shift_right_logical3A : i32 to vector<16xi32>
      %shift_right_logical3A_444 = arith.shrui %get3A_417, %shift_right_logical3A_443 : vector<16xi32>
      %and3A_445 = arith.constant 127 : i32
      %and3A_446 = vector.broadcast %and3A_445 : i32 to vector<16xi32>
      %and3A_447 = arith.andi %get3A_417, %and3A_446 : vector<16xi32>
      tpu.vector_store_idx %arg10[%shift_right_logical3A_444, %and3A_447], %masked_cumsum3A masked %or3A {add = true} : memref<48x128xf32, #tpu.memory_space<vmem>>[vector<16xi32>, vector<16xi32>], vector<16xf32>, vector<16xi1>
      tpu.vector_store_idx %arg11[%shift_right_logical3A_444, %and3A_447], %masked_cumsum3A_442 masked %or3A {add = true} : memref<48x128xf32, #tpu.memory_space<vmem>>[vector<16xi32>, vector<16xi32>], vector<16xf32>, vector<16xi1>
      %shift_right_logical3A_448 = arith.constant 7 : i32
      %shift_right_logical3A_449 = vector.broadcast %shift_right_logical3A_448 : i32 to vector<16xi32>
      %shift_right_logical3A_450 = arith.shrui %get3A_431, %shift_right_logical3A_449 : vector<16xi32>
      %and3A_451 = arith.constant 127 : i32
      %and3A_452 = vector.broadcast %and3A_451 : i32 to vector<16xi32>
      %and3A_453 = arith.andi %get3A_431, %and3A_452 : vector<16xi32>
      %neg3A = arith.constant 0.000000e+00 : f32
      %neg3A_454 = vector.broadcast %neg3A : f32 to vector<16xf32>
      %neg3A_455 = arith.subf %neg3A_454, %masked_cumsum3A : vector<16xf32>
      tpu.vector_store_idx %arg10[%shift_right_logical3A_450, %and3A_453], %neg3A_455 masked %and3A {add = true} : memref<48x128xf32, #tpu.memory_space<vmem>>[vector<16xi32>, vector<16xi32>], vector<16xf32>, vector<16xi1>
      %neg3A_456 = arith.constant 0.000000e+00 : f32
      %neg3A_457 = vector.broadcast %neg3A_456 : f32 to vector<16xf32>
      %neg3A_458 = arith.subf %neg3A_457, %masked_cumsum3A_442 : vector<16xf32>
      tpu.vector_store_idx %arg11[%shift_right_logical3A_450, %and3A_453], %neg3A_458 masked %and3A {add = true} : memref<48x128xf32, #tpu.memory_space<vmem>>[vector<16xi32>, vector<16xi32>], vector<16xf32>, vector<16xi1>
      %mul3A_459 = arith.constant 64 : i32
      %mul3A_460 = arith.muli %while3A_411, %mul3A_459 : i32
      %add3A_461 = arith.constant 16 : i32
      %add3A_462 = arith.addi %mul3A_460, %add3A_461 : i32
      %get3A_463 = arith.index_cast %add3A_462 : i32 to index
      %get3A_464 = tpu.vector_load %arg6[%get3A_463] {strides = array<i32>} : memref<6288xi32, #tpu.memory_space<vmem>>, vector<16xi32>,
      %get3A_465 = arith.index_cast %add3A_462 : i32 to index
      %get3A_466 = tpu.vector_load %arg7[%get3A_465] {strides = array<i32>} : memref<6272xf32, #tpu.memory_space<vmem>>, vector<16xf32>,
      %get3A_467 = arith.index_cast %add3A_462 : i32 to index
      %get3A_468 = tpu.vector_load %arg8[%get3A_467] {strides = array<i32>} : memref<6272xf32, #tpu.memory_space<vmem>>, vector<16xf32>,
      %div3A_469 = arith.constant 1.000000e+00 : f32
      %div3A_470 = vector.broadcast %div3A_469 : f32 to vector<16xf32>
      %div3A_471 = arith.divf %div3A_470, %get3A_468 : vector<16xf32>
      %mul3A_472 = arith.mulf %get3A_466, %div3A_471 : vector<16xf32>
      %swap3A_473 = arith.index_cast %add3A_462 : i32 to index
      %swap3A_474 = tpu.vector_load %arg9[%swap3A_473] {strides = array<i32>} : memref<6272xf32, #tpu.memory_space<vmem>>, vector<16xf32>,
      tpu.vector_store %arg9[%swap3A_473], %div3A_471 {strides = array<i32>} : memref<6272xf32, #tpu.memory_space<vmem>>, vector<16xf32>,
      %add3A_475 = arith.constant 1 : i32
      %add3A_476 = arith.addi %add3A_462, %add3A_475 : i32
      %get3A_477 = arith.index_cast %add3A_476 : i32 to index
      %get3A_478 = tpu.vector_load %arg6[%get3A_477] {strides = array<i32>} : memref<6288xi32, #tpu.memory_space<vmem>>, vector<16xi32>,
      %ne3A_479 = arith.cmpi ne, %get3A_464, %get3A_478 : vector<16xi32>
      %eq3A_480 = arith.constant 15 : i32
      %eq3A_481 = vector.broadcast %eq3A_480 : i32 to vector<16xi32>
      %eq3A_482 = arith.cmpi eq, %iota3A, %eq3A_481 : vector<16xi32>
      %or3A_483 = arith.ori %ne3A_479, %eq3A_482 : vector<16xi1>
      %ne3A_484 = arith.constant 15 : i32
      %ne3A_485 = vector.broadcast %ne3A_484 : i32 to vector<16xi32>
      %ne3A_486 = arith.cmpi ne, %iota3A, %ne3A_485 : vector<16xi32>
      %and3A_487 = arith.andi %ne3A_479, %ne3A_486 : vector<16xi1>
      %broadcast_in_dim3A_488 = arith.constant true
      %broadcast_in_dim3A_489 = vector.broadcast %broadcast_in_dim3A_488 : i1 to vector<16xi1>
      %masked_cumsum3A_490 = tpu.scan <sum>, %div3A_471 masked %broadcast_in_dim3A_489 : vector<16xf32>, vector<16xi1> -> vector<16xf32>
      %broadcast_in_dim3A_491 = arith.constant true
      %broadcast_in_dim3A_492 = vector.broadcast %broadcast_in_dim3A_491 : i1 to vector<16xi1>
      %masked_cumsum3A_493 = tpu.scan <sum>, %mul3A_472 masked %broadcast_in_dim3A_492 : vector<16xf32>, vector<16xi1> -> vector<16xf32>
      %shift_right_logical3A_494 = arith.constant 7 : i32
      %shift_right_logical3A_495 = vector.broadcast %shift_right_logical3A_494 : i32 to vector<16xi32>
      %shift_right_logical3A_496 = arith.shrui %get3A_464, %shift_right_logical3A_495 : vector<16xi32>
      %and3A_497 = arith.constant 127 : i32
      %and3A_498 = vector.broadcast %and3A_497 : i32 to vector<16xi32>
      %and3A_499 = arith.andi %get3A_464, %and3A_498 : vector<16xi32>
      tpu.vector_store_idx %arg10[%shift_right_logical3A_496, %and3A_499], %masked_cumsum3A_490 masked %or3A_483 {add = true} : memref<48x128xf32, #tpu.memory_space<vmem>>[vector<16xi32>, vector<16xi32>], vector<16xf32>, vector<16xi1>
      tpu.vector_store_idx %arg11[%shift_right_logical3A_496, %and3A_499], %masked_cumsum3A_493 masked %or3A_483 {add = true} : memref<48x128xf32, #tpu.memory_space<vmem>>[vector<16xi32>, vector<16xi32>], vector<16xf32>, vector<16xi1>
      %shift_right_logical3A_500 = arith.constant 7 : i32
      %shift_right_logical3A_501 = vector.broadcast %shift_right_logical3A_500 : i32 to vector<16xi32>
      %shift_right_logical3A_502 = arith.shrui %get3A_478, %shift_right_logical3A_501 : vector<16xi32>
      %and3A_503 = arith.constant 127 : i32
      %and3A_504 = vector.broadcast %and3A_503 : i32 to vector<16xi32>
      %and3A_505 = arith.andi %get3A_478, %and3A_504 : vector<16xi32>
      %neg3A_506 = arith.constant 0.000000e+00 : f32
      %neg3A_507 = vector.broadcast %neg3A_506 : f32 to vector<16xf32>
      %neg3A_508 = arith.subf %neg3A_507, %masked_cumsum3A_490 : vector<16xf32>
      tpu.vector_store_idx %arg10[%shift_right_logical3A_502, %and3A_505], %neg3A_508 masked %and3A_487 {add = true} : memref<48x128xf32, #tpu.memory_space<vmem>>[vector<16xi32>, vector<16xi32>], vector<16xf32>, vector<16xi1>
      %neg3A_509 = arith.constant 0.000000e+00 : f32
      %neg3A_510 = vector.broadcast %neg3A_509 : f32 to vector<16xf32>
      %neg3A_511 = arith.subf %neg3A_510, %masked_cumsum3A_493 : vector<16xf32>
      tpu.vector_store_idx %arg11[%shift_right_logical3A_502, %and3A_505], %neg3A_511 masked %and3A_487 {add = true} : memref<48x128xf32, #tpu.memory_space<vmem>>[vector<16xi32>, vector<16xi32>], vector<16xf32>, vector<16xi1>
      %mul3A_512 = arith.constant 64 : i32
      %mul3A_513 = arith.muli %while3A_411, %mul3A_512 : i32
      %add3A_514 = arith.constant 32 : i32
      %add3A_515 = arith.addi %mul3A_513, %add3A_514 : i32
      %get3A_516 = arith.index_cast %add3A_515 : i32 to index
      %get3A_517 = tpu.vector_load %arg6[%get3A_516] {strides = array<i32>} : memref<6288xi32, #tpu.memory_space<vmem>>, vector<16xi32>,
      %get3A_518 = arith.index_cast %add3A_515 : i32 to index
      %get3A_519 = tpu.vector_load %arg7[%get3A_518] {strides = array<i32>} : memref<6272xf32, #tpu.memory_space<vmem>>, vector<16xf32>,
      %get3A_520 = arith.index_cast %add3A_515 : i32 to index
      %get3A_521 = tpu.vector_load %arg8[%get3A_520] {strides = array<i32>} : memref<6272xf32, #tpu.memory_space<vmem>>, vector<16xf32>,
      %div3A_522 = arith.constant 1.000000e+00 : f32
      %div3A_523 = vector.broadcast %div3A_522 : f32 to vector<16xf32>
      %div3A_524 = arith.divf %div3A_523, %get3A_521 : vector<16xf32>
      %mul3A_525 = arith.mulf %get3A_519, %div3A_524 : vector<16xf32>
      %swap3A_526 = arith.index_cast %add3A_515 : i32 to index
      %swap3A_527 = tpu.vector_load %arg9[%swap3A_526] {strides = array<i32>} : memref<6272xf32, #tpu.memory_space<vmem>>, vector<16xf32>,
      tpu.vector_store %arg9[%swap3A_526], %div3A_524 {strides = array<i32>} : memref<6272xf32, #tpu.memory_space<vmem>>, vector<16xf32>,
      %add3A_528 = arith.constant 1 : i32
      %add3A_529 = arith.addi %add3A_515, %add3A_528 : i32
      %get3A_530 = arith.index_cast %add3A_529 : i32 to index
      %get3A_531 = tpu.vector_load %arg6[%get3A_530] {strides = array<i32>} : memref<6288xi32, #tpu.memory_space<vmem>>, vector<16xi32>,
      %ne3A_532 = arith.cmpi ne, %get3A_517, %get3A_531 : vector<16xi32>
      %eq3A_533 = arith.constant 15 : i32
      %eq3A_534 = vector.broadcast %eq3A_533 : i32 to vector<16xi32>
      %eq3A_535 = arith.cmpi eq, %iota3A, %eq3A_534 : vector<16xi32>
      %or3A_536 = arith.ori %ne3A_532, %eq3A_535 : vector<16xi1>
      %ne3A_537 = arith.constant 15 : i32
      %ne3A_538 = vector.broadcast %ne3A_537 : i32 to vector<16xi32>
      %ne3A_539 = arith.cmpi ne, %iota3A, %ne3A_538 : vector<16xi32>
      %and3A_540 = arith.andi %ne3A_532, %ne3A_539 : vector<16xi1>
      %broadcast_in_dim3A_541 = arith.constant true
      %broadcast_in_dim3A_542 = vector.broadcast %broadcast_in_dim3A_541 : i1 to vector<16xi1>
      %masked_cumsum3A_543 = tpu.scan <sum>, %div3A_524 masked %broadcast_in_dim3A_542 : vector<16xf32>, vector<16xi1> -> vector<16xf32>
      %broadcast_in_dim3A_544 = arith.constant true
      %broadcast_in_dim3A_545 = vector.broadcast %broadcast_in_dim3A_544 : i1 to vector<16xi1>
      %masked_cumsum3A_546 = tpu.scan <sum>, %mul3A_525 masked %broadcast_in_dim3A_545 : vector<16xf32>, vector<16xi1> -> vector<16xf32>
      %shift_right_logical3A_547 = arith.constant 7 : i32
      %shift_right_logical3A_548 = vector.broadcast %shift_right_logical3A_547 : i32 to vector<16xi32>
      %shift_right_logical3A_549 = arith.shrui %get3A_517, %shift_right_logical3A_548 : vector<16xi32>
      %and3A_550 = arith.constant 127 : i32
      %and3A_551 = vector.broadcast %and3A_550 : i32 to vector<16xi32>
      %and3A_552 = arith.andi %get3A_517, %and3A_551 : vector<16xi32>
      tpu.vector_store_idx %arg10[%shift_right_logical3A_549, %and3A_552], %masked_cumsum3A_543 masked %or3A_536 {add = true} : memref<48x128xf32, #tpu.memory_space<vmem>>[vector<16xi32>, vector<16xi32>], vector<16xf32>, vector<16xi1>
      tpu.vector_store_idx %arg11[%shift_right_logical3A_549, %and3A_552], %masked_cumsum3A_546 masked %or3A_536 {add = true} : memref<48x128xf32, #tpu.memory_space<vmem>>[vector<16xi32>, vector<16xi32>], vector<16xf32>, vector<16xi1>
      %shift_right_logical3A_553 = arith.constant 7 : i32
      %shift_right_logical3A_554 = vector.broadcast %shift_right_logical3A_553 : i32 to vector<16xi32>
      %shift_right_logical3A_555 = arith.shrui %get3A_531, %shift_right_logical3A_554 : vector<16xi32>
      %and3A_556 = arith.constant 127 : i32
      %and3A_557 = vector.broadcast %and3A_556 : i32 to vector<16xi32>
      %and3A_558 = arith.andi %get3A_531, %and3A_557 : vector<16xi32>
      %neg3A_559 = arith.constant 0.000000e+00 : f32
      %neg3A_560 = vector.broadcast %neg3A_559 : f32 to vector<16xf32>
      %neg3A_561 = arith.subf %neg3A_560, %masked_cumsum3A_543 : vector<16xf32>
      tpu.vector_store_idx %arg10[%shift_right_logical3A_555, %and3A_558], %neg3A_561 masked %and3A_540 {add = true} : memref<48x128xf32, #tpu.memory_space<vmem>>[vector<16xi32>, vector<16xi32>], vector<16xf32>, vector<16xi1>
      %neg3A_562 = arith.constant 0.000000e+00 : f32
      %neg3A_563 = vector.broadcast %neg3A_562 : f32 to vector<16xf32>
      %neg3A_564 = arith.subf %neg3A_563, %masked_cumsum3A_546 : vector<16xf32>
      tpu.vector_store_idx %arg11[%shift_right_logical3A_555, %and3A_558], %neg3A_564 masked %and3A_540 {add = true} : memref<48x128xf32, #tpu.memory_space<vmem>>[vector<16xi32>, vector<16xi32>], vector<16xf32>, vector<16xi1>
      %mul3A_565 = arith.constant 64 : i32
      %mul3A_566 = arith.muli %while3A_411, %mul3A_565 : i32
      %add3A_567 = arith.constant 48 : i32
      %add3A_568 = arith.addi %mul3A_566, %add3A_567 : i32
      %get3A_569 = arith.index_cast %add3A_568 : i32 to index
      %get3A_570 = tpu.vector_load %arg6[%get3A_569] {strides = array<i32>} : memref<6288xi32, #tpu.memory_space<vmem>>, vector<16xi32>,
      %get3A_571 = arith.index_cast %add3A_568 : i32 to index
      %get3A_572 = tpu.vector_load %arg7[%get3A_571] {strides = array<i32>} : memref<6272xf32, #tpu.memory_space<vmem>>, vector<16xf32>,
      %get3A_573 = arith.index_cast %add3A_568 : i32 to index
      %get3A_574 = tpu.vector_load %arg8[%get3A_573] {strides = array<i32>} : memref<6272xf32, #tpu.memory_space<vmem>>, vector<16xf32>,
      %div3A_575 = arith.constant 1.000000e+00 : f32
      %div3A_576 = vector.broadcast %div3A_575 : f32 to vector<16xf32>
      %div3A_577 = arith.divf %div3A_576, %get3A_574 : vector<16xf32>
      %mul3A_578 = arith.mulf %get3A_572, %div3A_577 : vector<16xf32>
      %swap3A_579 = arith.index_cast %add3A_568 : i32 to index
      %swap3A_580 = tpu.vector_load %arg9[%swap3A_579] {strides = array<i32>} : memref<6272xf32, #tpu.memory_space<vmem>>, vector<16xf32>,
      tpu.vector_store %arg9[%swap3A_579], %div3A_577 {strides = array<i32>} : memref<6272xf32, #tpu.memory_space<vmem>>, vector<16xf32>,
      %add3A_581 = arith.constant 1 : i32
      %add3A_582 = arith.addi %add3A_568, %add3A_581 : i32
      %get3A_583 = arith.index_cast %add3A_582 : i32 to index
      %get3A_584 = tpu.vector_load %arg6[%get3A_583] {strides = array<i32>} : memref<6288xi32, #tpu.memory_space<vmem>>, vector<16xi32>,
      %ne3A_585 = arith.cmpi ne, %get3A_570, %get3A_584 : vector<16xi32>
      %eq3A_586 = arith.constant 15 : i32
      %eq3A_587 = vector.broadcast %eq3A_586 : i32 to vector<16xi32>
      %eq3A_588 = arith.cmpi eq, %iota3A, %eq3A_587 : vector<16xi32>
      %or3A_589 = arith.ori %ne3A_585, %eq3A_588 : vector<16xi1>
      %ne3A_590 = arith.constant 15 : i32
      %ne3A_591 = vector.broadcast %ne3A_590 : i32 to vector<16xi32>
      %ne3A_592 = arith.cmpi ne, %iota3A, %ne3A_591 : vector<16xi32>
      %and3A_593 = arith.andi %ne3A_585, %ne3A_592 : vector<16xi1>
      %broadcast_in_dim3A_594 = arith.constant true
      %broadcast_in_dim3A_595 = vector.broadcast %broadcast_in_dim3A_594 : i1 to vector<16xi1>
      %masked_cumsum3A_596 = tpu.scan <sum>, %div3A_577 masked %broadcast_in_dim3A_595 : vector<16xf32>, vector<16xi1> -> vector<16xf32>
      %broadcast_in_dim3A_597 = arith.constant true
      %broadcast_in_dim3A_598 = vector.broadcast %broadcast_in_dim3A_597 : i1 to vector<16xi1>
      %masked_cumsum3A_599 = tpu.scan <sum>, %mul3A_578 masked %broadcast_in_dim3A_598 : vector<16xf32>, vector<16xi1> -> vector<16xf32>
      %shift_right_logical3A_600 = arith.constant 7 : i32
      %shift_right_logical3A_601 = vector.broadcast %shift_right_logical3A_600 : i32 to vector<16xi32>
      %shift_right_logical3A_602 = arith.shrui %get3A_570, %shift_right_logical3A_601 : vector<16xi32>
      %and3A_603 = arith.constant 127 : i32
      %and3A_604 = vector.broadcast %and3A_603 : i32 to vector<16xi32>
      %and3A_605 = arith.andi %get3A_570, %and3A_604 : vector<16xi32>
      tpu.vector_store_idx %arg10[%shift_right_logical3A_602, %and3A_605], %masked_cumsum3A_596 masked %or3A_589 {add = true} : memref<48x128xf32, #tpu.memory_space<vmem>>[vector<16xi32>, vector<16xi32>], vector<16xf32>, vector<16xi1>
      tpu.vector_store_idx %arg11[%shift_right_logical3A_602, %and3A_605], %masked_cumsum3A_599 masked %or3A_589 {add = true} : memref<48x128xf32, #tpu.memory_space<vmem>>[vector<16xi32>, vector<16xi32>], vector<16xf32>, vector<16xi1>
      %shift_right_logical3A_606 = arith.constant 7 : i32
      %shift_right_logical3A_607 = vector.broadcast %shift_right_logical3A_606 : i32 to vector<16xi32>
      %shift_right_logical3A_608 = arith.shrui %get3A_584, %shift_right_logical3A_607 : vector<16xi32>
      %and3A_609 = arith.constant 127 : i32
      %and3A_610 = vector.broadcast %and3A_609 : i32 to vector<16xi32>
      %and3A_611 = arith.andi %get3A_584, %and3A_610 : vector<16xi32>
      %neg3A_612 = arith.constant 0.000000e+00 : f32
      %neg3A_613 = vector.broadcast %neg3A_612 : f32 to vector<16xf32>
      %neg3A_614 = arith.subf %neg3A_613, %masked_cumsum3A_596 : vector<16xf32>
      tpu.vector_store_idx %arg10[%shift_right_logical3A_608, %and3A_611], %neg3A_614 masked %and3A_593 {add = true} : memref<48x128xf32, #tpu.memory_space<vmem>>[vector<16xi32>, vector<16xi32>], vector<16xf32>, vector<16xi1>
      %neg3A_615 = arith.constant 0.000000e+00 : f32
      %neg3A_616 = vector.broadcast %neg3A_615 : f32 to vector<16xf32>
      %neg3A_617 = arith.subf %neg3A_616, %masked_cumsum3A_599 : vector<16xf32>
      tpu.vector_store_idx %arg11[%shift_right_logical3A_608, %and3A_611], %neg3A_617 masked %and3A_593 {add = true} : memref<48x128xf32, #tpu.memory_space<vmem>>[vector<16xi32>, vector<16xi32>], vector<16xf32>, vector<16xi1>
    }
    %while3A_77 = arith.constant 1 : i32
    scf.for %while3A_411 = %while3A_75 to %while3A_71 step %while3A_77  : i32 {
      %mul3A_412 = arith.constant 64 : i32
      %mul3A_413 = arith.muli %while3A_411, %mul3A_412 : i32
      %add3A_414 = arith.constant 0 : i32
      %add3A_415 = arith.addi %mul3A_413, %add3A_414 : i32
      %get3A_416 = arith.index_cast %add3A_415 : i32 to index
      %get3A_417 = tpu.vector_load %arg6[%get3A_416] {strides = array<i32>} : memref<6288xi32, #tpu.memory_space<vmem>>, vector<16xi32>,
      %get3A_418 = arith.index_cast %add3A_415 : i32 to index
      %get3A_419 = tpu.vector_load %arg7[%get3A_418] {strides = array<i32>} : memref<6272xf32, #tpu.memory_space<vmem>>, vector<16xf32>,
      %get3A_420 = arith.index_cast %add3A_415 : i32 to index
      %get3A_421 = tpu.vector_load %arg8[%get3A_420] {strides = array<i32>} : memref<6272xf32, #tpu.memory_space<vmem>>, vector<16xf32>,
      %div3A_422 = arith.constant 1.000000e+00 : f32
      %div3A_423 = vector.broadcast %div3A_422 : f32 to vector<16xf32>
      %div3A_424 = arith.divf %div3A_423, %get3A_421 : vector<16xf32>
      %mul3A_425 = arith.mulf %get3A_419, %div3A_424 : vector<16xf32>
      %swap3A_426 = arith.index_cast %add3A_415 : i32 to index
      %swap3A_427 = tpu.vector_load %arg9[%swap3A_426] {strides = array<i32>} : memref<6272xf32, #tpu.memory_space<vmem>>, vector<16xf32>,
      tpu.vector_store %arg9[%swap3A_426], %div3A_424 {strides = array<i32>} : memref<6272xf32, #tpu.memory_space<vmem>>, vector<16xf32>,
      %add3A_428 = arith.constant 1 : i32
      %add3A_429 = arith.addi %add3A_415, %add3A_428 : i32
      %get3A_430 = arith.index_cast %add3A_429 : i32 to index
      %get3A_431 = tpu.vector_load %arg6[%get3A_430] {strides = array<i32>} : memref<6288xi32, #tpu.memory_space<vmem>>, vector<16xi32>,
      %ne3A = arith.cmpi ne, %get3A_417, %get3A_431 : vector<16xi32>
      %eq3A_432 = arith.constant 15 : i32
      %eq3A_433 = vector.broadcast %eq3A_432 : i32 to vector<16xi32>
      %eq3A_434 = arith.cmpi eq, %iota3A, %eq3A_433 : vector<16xi32>
      %or3A = arith.ori %ne3A, %eq3A_434 : vector<16xi1>
      %ne3A_435 = arith.constant 15 : i32
      %ne3A_436 = vector.broadcast %ne3A_435 : i32 to vector<16xi32>
      %ne3A_437 = arith.cmpi ne, %iota3A, %ne3A_436 : vector<16xi32>
      %and3A = arith.andi %ne3A, %ne3A_437 : vector<16xi1>
      %broadcast_in_dim3A_438 = arith.constant true
      %broadcast_in_dim3A_439 = vector.broadcast %broadcast_in_dim3A_438 : i1 to vector<16xi1>
      %masked_cumsum3A = tpu.scan <sum>, %div3A_424 masked %broadcast_in_dim3A_439 : vector<16xf32>, vector<16xi1> -> vector<16xf32>
      %broadcast_in_dim3A_440 = arith.constant true
      %broadcast_in_dim3A_441 = vector.broadcast %broadcast_in_dim3A_440 : i1 to vector<16xi1>
      %masked_cumsum3A_442 = tpu.scan <sum>, %mul3A_425 masked %broadcast_in_dim3A_441 : vector<16xf32>, vector<16xi1> -> vector<16xf32>
      %shift_right_logical3A = arith.constant 7 : i32
      %shift_right_logical3A_443 = vector.broadcast %shift_right_logical3A : i32 to vector<16xi32>
      %shift_right_logical3A_444 = arith.shrui %get3A_417, %shift_right_logical3A_443 : vector<16xi32>
      %and3A_445 = arith.constant 127 : i32
      %and3A_446 = vector.broadcast %and3A_445 : i32 to vector<16xi32>
      %and3A_447 = arith.andi %get3A_417, %and3A_446 : vector<16xi32>
      tpu.vector_store_idx %arg10[%shift_right_logical3A_444, %and3A_447], %masked_cumsum3A masked %or3A {add = true} : memref<48x128xf32, #tpu.memory_space<vmem>>[vector<16xi32>, vector<16xi32>], vector<16xf32>, vector<16xi1>
      tpu.vector_store_idx %arg11[%shift_right_logical3A_444, %and3A_447], %masked_cumsum3A_442 masked %or3A {add = true} : memref<48x128xf32, #tpu.memory_space<vmem>>[vector<16xi32>, vector<16xi32>], vector<16xf32>, vector<16xi1>
      %shift_right_logical3A_448 = arith.constant 7 : i32
      %shift_right_logical3A_449 = vector.broadcast %shift_right_logical3A_448 : i32 to vector<16xi32>
      %shift_right_logical3A_450 = arith.shrui %get3A_431, %shift_right_logical3A_449 : vector<16xi32>
      %and3A_451 = arith.constant 127 : i32
      %and3A_452 = vector.broadcast %and3A_451 : i32 to vector<16xi32>
      %and3A_453 = arith.andi %get3A_431, %and3A_452 : vector<16xi32>
      %neg3A = arith.constant 0.000000e+00 : f32
      %neg3A_454 = vector.broadcast %neg3A : f32 to vector<16xf32>
      %neg3A_455 = arith.subf %neg3A_454, %masked_cumsum3A : vector<16xf32>
      tpu.vector_store_idx %arg10[%shift_right_logical3A_450, %and3A_453], %neg3A_455 masked %and3A {add = true} : memref<48x128xf32, #tpu.memory_space<vmem>>[vector<16xi32>, vector<16xi32>], vector<16xf32>, vector<16xi1>
      %neg3A_456 = arith.constant 0.000000e+00 : f32
      %neg3A_457 = vector.broadcast %neg3A_456 : f32 to vector<16xf32>
      %neg3A_458 = arith.subf %neg3A_457, %masked_cumsum3A_442 : vector<16xf32>
      tpu.vector_store_idx %arg11[%shift_right_logical3A_450, %and3A_453], %neg3A_458 masked %and3A {add = true} : memref<48x128xf32, #tpu.memory_space<vmem>>[vector<16xi32>, vector<16xi32>], vector<16xf32>, vector<16xi1>
      %mul3A_459 = arith.constant 64 : i32
      %mul3A_460 = arith.muli %while3A_411, %mul3A_459 : i32
      %add3A_461 = arith.constant 16 : i32
      %add3A_462 = arith.addi %mul3A_460, %add3A_461 : i32
      %get3A_463 = arith.index_cast %add3A_462 : i32 to index
      %get3A_464 = tpu.vector_load %arg6[%get3A_463] {strides = array<i32>} : memref<6288xi32, #tpu.memory_space<vmem>>, vector<16xi32>,
      %get3A_465 = arith.index_cast %add3A_462 : i32 to index
      %get3A_466 = tpu.vector_load %arg7[%get3A_465] {strides = array<i32>} : memref<6272xf32, #tpu.memory_space<vmem>>, vector<16xf32>,
      %get3A_467 = arith.index_cast %add3A_462 : i32 to index
      %get3A_468 = tpu.vector_load %arg8[%get3A_467] {strides = array<i32>} : memref<6272xf32, #tpu.memory_space<vmem>>, vector<16xf32>,
      %div3A_469 = arith.constant 1.000000e+00 : f32
      %div3A_470 = vector.broadcast %div3A_469 : f32 to vector<16xf32>
      %div3A_471 = arith.divf %div3A_470, %get3A_468 : vector<16xf32>
      %mul3A_472 = arith.mulf %get3A_466, %div3A_471 : vector<16xf32>
      %swap3A_473 = arith.index_cast %add3A_462 : i32 to index
      %swap3A_474 = tpu.vector_load %arg9[%swap3A_473] {strides = array<i32>} : memref<6272xf32, #tpu.memory_space<vmem>>, vector<16xf32>,
      tpu.vector_store %arg9[%swap3A_473], %div3A_471 {strides = array<i32>} : memref<6272xf32, #tpu.memory_space<vmem>>, vector<16xf32>,
      %add3A_475 = arith.constant 1 : i32
      %add3A_476 = arith.addi %add3A_462, %add3A_475 : i32
      %get3A_477 = arith.index_cast %add3A_476 : i32 to index
      %get3A_478 = tpu.vector_load %arg6[%get3A_477] {strides = array<i32>} : memref<6288xi32, #tpu.memory_space<vmem>>, vector<16xi32>,
      %ne3A_479 = arith.cmpi ne, %get3A_464, %get3A_478 : vector<16xi32>
      %eq3A_480 = arith.constant 15 : i32
      %eq3A_481 = vector.broadcast %eq3A_480 : i32 to vector<16xi32>
      %eq3A_482 = arith.cmpi eq, %iota3A, %eq3A_481 : vector<16xi32>
      %or3A_483 = arith.ori %ne3A_479, %eq3A_482 : vector<16xi1>
      %ne3A_484 = arith.constant 15 : i32
      %ne3A_485 = vector.broadcast %ne3A_484 : i32 to vector<16xi32>
      %ne3A_486 = arith.cmpi ne, %iota3A, %ne3A_485 : vector<16xi32>
      %and3A_487 = arith.andi %ne3A_479, %ne3A_486 : vector<16xi1>
      %broadcast_in_dim3A_488 = arith.constant true
      %broadcast_in_dim3A_489 = vector.broadcast %broadcast_in_dim3A_488 : i1 to vector<16xi1>
      %masked_cumsum3A_490 = tpu.scan <sum>, %div3A_471 masked %broadcast_in_dim3A_489 : vector<16xf32>, vector<16xi1> -> vector<16xf32>
      %broadcast_in_dim3A_491 = arith.constant true
      %broadcast_in_dim3A_492 = vector.broadcast %broadcast_in_dim3A_491 : i1 to vector<16xi1>
      %masked_cumsum3A_493 = tpu.scan <sum>, %mul3A_472 masked %broadcast_in_dim3A_492 : vector<16xf32>, vector<16xi1> -> vector<16xf32>
      %shift_right_logical3A_494 = arith.constant 7 : i32
      %shift_right_logical3A_495 = vector.broadcast %shift_right_logical3A_494 : i32 to vector<16xi32>
      %shift_right_logical3A_496 = arith.shrui %get3A_464, %shift_right_logical3A_495 : vector<16xi32>
      %and3A_497 = arith.constant 127 : i32
      %and3A_498 = vector.broadcast %and3A_497 : i32 to vector<16xi32>
      %and3A_499 = arith.andi %get3A_464, %and3A_498 : vector<16xi32>
      tpu.vector_store_idx %arg10[%shift_right_logical3A_496, %and3A_499], %masked_cumsum3A_490 masked %or3A_483 {add = true} : memref<48x128xf32, #tpu.memory_space<vmem>>[vector<16xi32>, vector<16xi32>], vector<16xf32>, vector<16xi1>
      tpu.vector_store_idx %arg11[%shift_right_logical3A_496, %and3A_499], %masked_cumsum3A_493 masked %or3A_483 {add = true} : memref<48x128xf32, #tpu.memory_space<vmem>>[vector<16xi32>, vector<16xi32>], vector<16xf32>, vector<16xi1>
      %shift_right_logical3A_500 = arith.constant 7 : i32
      %shift_right_logical3A_501 = vector.broadcast %shift_right_logical3A_500 : i32 to vector<16xi32>
      %shift_right_logical3A_502 = arith.shrui %get3A_478, %shift_right_logical3A_501 : vector<16xi32>
      %and3A_503 = arith.constant 127 : i32
      %and3A_504 = vector.broadcast %and3A_503 : i32 to vector<16xi32>
      %and3A_505 = arith.andi %get3A_478, %and3A_504 : vector<16xi32>
      %neg3A_506 = arith.constant 0.000000e+00 : f32
      %neg3A_507 = vector.broadcast %neg3A_506 : f32 to vector<16xf32>
      %neg3A_508 = arith.subf %neg3A_507, %masked_cumsum3A_490 : vector<16xf32>
      tpu.vector_store_idx %arg10[%shift_right_logical3A_502, %and3A_505], %neg3A_508 masked %and3A_487 {add = true} : memref<48x128xf32, #tpu.memory_space<vmem>>[vector<16xi32>, vector<16xi32>], vector<16xf32>, vector<16xi1>
      %neg3A_509 = arith.constant 0.000000e+00 : f32
      %neg3A_510 = vector.broadcast %neg3A_509 : f32 to vector<16xf32>
      %neg3A_511 = arith.subf %neg3A_510, %masked_cumsum3A_493 : vector<16xf32>
      tpu.vector_store_idx %arg11[%shift_right_logical3A_502, %and3A_505], %neg3A_511 masked %and3A_487 {add = true} : memref<48x128xf32, #tpu.memory_space<vmem>>[vector<16xi32>, vector<16xi32>], vector<16xf32>, vector<16xi1>
      %mul3A_512 = arith.constant 64 : i32
      %mul3A_513 = arith.muli %while3A_411, %mul3A_512 : i32
      %add3A_514 = arith.constant 32 : i32
      %add3A_515 = arith.addi %mul3A_513, %add3A_514 : i32
      %get3A_516 = arith.index_cast %add3A_515 : i32 to index
      %get3A_517 = tpu.vector_load %arg6[%get3A_516] {strides = array<i32>} : memref<6288xi32, #tpu.memory_space<vmem>>, vector<16xi32>,
      %get3A_518 = arith.index_cast %add3A_515 : i32 to index
      %get3A_519 = tpu.vector_load %arg7[%get3A_518] {strides = array<i32>} : memref<6272xf32, #tpu.memory_space<vmem>>, vector<16xf32>,
      %get3A_520 = arith.index_cast %add3A_515 : i32 to index
      %get3A_521 = tpu.vector_load %arg8[%get3A_520] {strides = array<i32>} : memref<6272xf32, #tpu.memory_space<vmem>>, vector<16xf32>,
      %div3A_522 = arith.constant 1.000000e+00 : f32
      %div3A_523 = vector.broadcast %div3A_522 : f32 to vector<16xf32>
      %div3A_524 = arith.divf %div3A_523, %get3A_521 : vector<16xf32>
      %mul3A_525 = arith.mulf %get3A_519, %div3A_524 : vector<16xf32>
      %swap3A_526 = arith.index_cast %add3A_515 : i32 to index
      %swap3A_527 = tpu.vector_load %arg9[%swap3A_526] {strides = array<i32>} : memref<6272xf32, #tpu.memory_space<vmem>>, vector<16xf32>,
      tpu.vector_store %arg9[%swap3A_526], %div3A_524 {strides = array<i32>} : memref<6272xf32, #tpu.memory_space<vmem>>, vector<16xf32>,
      %add3A_528 = arith.constant 1 : i32
      %add3A_529 = arith.addi %add3A_515, %add3A_528 : i32
      %get3A_530 = arith.index_cast %add3A_529 : i32 to index
      %get3A_531 = tpu.vector_load %arg6[%get3A_530] {strides = array<i32>} : memref<6288xi32, #tpu.memory_space<vmem>>, vector<16xi32>,
      %ne3A_532 = arith.cmpi ne, %get3A_517, %get3A_531 : vector<16xi32>
      %eq3A_533 = arith.constant 15 : i32
      %eq3A_534 = vector.broadcast %eq3A_533 : i32 to vector<16xi32>
      %eq3A_535 = arith.cmpi eq, %iota3A, %eq3A_534 : vector<16xi32>
      %or3A_536 = arith.ori %ne3A_532, %eq3A_535 : vector<16xi1>
      %ne3A_537 = arith.constant 15 : i32
      %ne3A_538 = vector.broadcast %ne3A_537 : i32 to vector<16xi32>
      %ne3A_539 = arith.cmpi ne, %iota3A, %ne3A_538 : vector<16xi32>
      %and3A_540 = arith.andi %ne3A_532, %ne3A_539 : vector<16xi1>
      %broadcast_in_dim3A_541 = arith.constant true
      %broadcast_in_dim3A_542 = vector.broadcast %broadcast_in_dim3A_541 : i1 to vector<16xi1>
      %masked_cumsum3A_543 = tpu.scan <sum>, %div3A_524 masked %broadcast_in_dim3A_542 : vector<16xf32>, vector<16xi1> -> vector<16xf32>
      %broadcast_in_dim3A_544 = arith.constant true
      %broadcast_in_dim3A_545 = vector.broadcast %broadcast_in_dim3A_544 : i1 to vector<16xi1>
      %masked_cumsum3A_546 = tpu.scan <sum>, %mul3A_525 masked %broadcast_in_dim3A_545 : vector<16xf32>, vector<16xi1> -> vector<16xf32>
      %shift_right_logical3A_547 = arith.constant 7 : i32
      %shift_right_logical3A_548 = vector.broadcast %shift_right_logical3A_547 : i32 to vector<16xi32>
      %shift_right_logical3A_549 = arith.shrui %get3A_517, %shift_right_logical3A_548 : vector<16xi32>
      %and3A_550 = arith.constant 127 : i32
      %and3A_551 = vector.broadcast %and3A_550 : i32 to vector<16xi32>
      %and3A_552 = arith.andi %get3A_517, %and3A_551 : vector<16xi32>
      tpu.vector_store_idx %arg10[%shift_right_logical3A_549, %and3A_552], %masked_cumsum3A_543 masked %or3A_536 {add = true} : memref<48x128xf32, #tpu.memory_space<vmem>>[vector<16xi32>, vector<16xi32>], vector<16xf32>, vector<16xi1>
      tpu.vector_store_idx %arg11[%shift_right_logical3A_549, %and3A_552], %masked_cumsum3A_546 masked %or3A_536 {add = true} : memref<48x128xf32, #tpu.memory_space<vmem>>[vector<16xi32>, vector<16xi32>], vector<16xf32>, vector<16xi1>
      %shift_right_logical3A_553 = arith.constant 7 : i32
      %shift_right_logical3A_554 = vector.broadcast %shift_right_logical3A_553 : i32 to vector<16xi32>
      %shift_right_logical3A_555 = arith.shrui %get3A_531, %shift_right_logical3A_554 : vector<16xi32>
      %and3A_556 = arith.constant 127 : i32
      %and3A_557 = vector.broadcast %and3A_556 : i32 to vector<16xi32>
      %and3A_558 = arith.andi %get3A_531, %and3A_557 : vector<16xi32>
      %neg3A_559 = arith.constant 0.000000e+00 : f32
      %neg3A_560 = vector.broadcast %neg3A_559 : f32 to vector<16xf32>
      %neg3A_561 = arith.subf %neg3A_560, %masked_cumsum3A_543 : vector<16xf32>
      tpu.vector_store_idx %arg10[%shift_right_logical3A_555, %and3A_558], %neg3A_561 masked %and3A_540 {add = true} : memref<48x128xf32, #tpu.memory_space<vmem>>[vector<16xi32>, vector<16xi32>], vector<16xf32>, vector<16xi1>
      %neg3A_562 = arith.constant 0.000000e+00 : f32
      %neg3A_563 = vector.broadcast %neg3A_562 : f32 to vector<16xf32>
      %neg3A_564 = arith.subf %neg3A_563, %masked_cumsum3A_546 : vector<16xf32>
      tpu.vector_store_idx %arg11[%shift_right_logical3A_555, %and3A_558], %neg3A_564 masked %and3A_540 {add = true} : memref<48x128xf32, #tpu.memory_space<vmem>>[vector<16xi32>, vector<16xi32>], vector<16xf32>, vector<16xi1>
      %mul3A_565 = arith.constant 64 : i32
      %mul3A_566 = arith.muli %while3A_411, %mul3A_565 : i32
      %add3A_567 = arith.constant 48 : i32
      %add3A_568 = arith.addi %mul3A_566, %add3A_567 : i32
      %get3A_569 = arith.index_cast %add3A_568 : i32 to index
      %get3A_570 = tpu.vector_load %arg6[%get3A_569] {strides = array<i32>} : memref<6288xi32, #tpu.memory_space<vmem>>, vector<16xi32>,
      %get3A_571 = arith.index_cast %add3A_568 : i32 to index
      %get3A_572 = tpu.vector_load %arg7[%get3A_571] {strides = array<i32>} : memref<6272xf32, #tpu.memory_space<vmem>>, vector<16xf32>,
      %get3A_573 = arith.index_cast %add3A_568 : i32 to index
      %get3A_574 = tpu.vector_load %arg8[%get3A_573] {strides = array<i32>} : memref<6272xf32, #tpu.memory_space<vmem>>, vector<16xf32>,
      %div3A_575 = arith.constant 1.000000e+00 : f32
      %div3A_576 = vector.broadcast %div3A_575 : f32 to vector<16xf32>
      %div3A_577 = arith.divf %div3A_576, %get3A_574 : vector<16xf32>
      %mul3A_578 = arith.mulf %get3A_572, %div3A_577 : vector<16xf32>
      %swap3A_579 = arith.index_cast %add3A_568 : i32 to index
      %swap3A_580 = tpu.vector_load %arg9[%swap3A_579] {strides = array<i32>} : memref<6272xf32, #tpu.memory_space<vmem>>, vector<16xf32>,
      tpu.vector_store %arg9[%swap3A_579], %div3A_577 {strides = array<i32>} : memref<6272xf32, #tpu.memory_space<vmem>>, vector<16xf32>,
      %add3A_581 = arith.constant 1 : i32
      %add3A_582 = arith.addi %add3A_568, %add3A_581 : i32
      %get3A_583 = arith.index_cast %add3A_582 : i32 to index
      %get3A_584 = tpu.vector_load %arg6[%get3A_583] {strides = array<i32>} : memref<6288xi32, #tpu.memory_space<vmem>>, vector<16xi32>,
      %ne3A_585 = arith.cmpi ne, %get3A_570, %get3A_584 : vector<16xi32>
      %eq3A_586 = arith.constant 15 : i32
      %eq3A_587 = vector.broadcast %eq3A_586 : i32 to vector<16xi32>
      %eq3A_588 = arith.cmpi eq, %iota3A, %eq3A_587 : vector<16xi32>
      %or3A_589 = arith.ori %ne3A_585, %eq3A_588 : vector<16xi1>
      %ne3A_590 = arith.constant 15 : i32
      %ne3A_591 = vector.broadcast %ne3A_590 : i32 to vector<16xi32>
      %ne3A_592 = arith.cmpi ne, %iota3A, %ne3A_591 : vector<16xi32>
      %and3A_593 = arith.andi %ne3A_585, %ne3A_592 : vector<16xi1>
      %broadcast_in_dim3A_594 = arith.constant true
      %broadcast_in_dim3A_595 = vector.broadcast %broadcast_in_dim3A_594 : i1 to vector<16xi1>
      %masked_cumsum3A_596 = tpu.scan <sum>, %div3A_577 masked %broadcast_in_dim3A_595 : vector<16xf32>, vector<16xi1> -> vector<16xf32>
      %broadcast_in_dim3A_597 = arith.constant true
      %broadcast_in_dim3A_598 = vector.broadcast %broadcast_in_dim3A_597 : i1 to vector<16xi1>
      %masked_cumsum3A_599 = tpu.scan <sum>, %mul3A_578 masked %broadcast_in_dim3A_598 : vector<16xf32>, vector<16xi1> -> vector<16xf32>
      %shift_right_logical3A_600 = arith.constant 7 : i32
      %shift_right_logical3A_601 = vector.broadcast %shift_right_logical3A_600 : i32 to vector<16xi32>
      %shift_right_logical3A_602 = arith.shrui %get3A_570, %shift_right_logical3A_601 : vector<16xi32>
      %and3A_603 = arith.constant 127 : i32
      %and3A_604 = vector.broadcast %and3A_603 : i32 to vector<16xi32>
      %and3A_605 = arith.andi %get3A_570, %and3A_604 : vector<16xi32>
      tpu.vector_store_idx %arg10[%shift_right_logical3A_602, %and3A_605], %masked_cumsum3A_596 masked %or3A_589 {add = true} : memref<48x128xf32, #tpu.memory_space<vmem>>[vector<16xi32>, vector<16xi32>], vector<16xf32>, vector<16xi1>
      tpu.vector_store_idx %arg11[%shift_right_logical3A_602, %and3A_605], %masked_cumsum3A_599 masked %or3A_589 {add = true} : memref<48x128xf32, #tpu.memory_space<vmem>>[vector<16xi32>, vector<16xi32>], vector<16xf32>, vector<16xi1>
      %shift_right_logical3A_606 = arith.constant 7 : i32
      %shift_right_logical3A_607 = vector.broadcast %shift_right_logical3A_606 : i32 to vector<16xi32>
      %shift_right_logical3A_608 = arith.shrui %get3A_584, %shift_right_logical3A_607 : vector<16xi32>
      %and3A_609 = arith.constant 127 : i32
      %and3A_610 = vector.broadcast %and3A_609 : i32 to vector<16xi32>
      %and3A_611 = arith.andi %get3A_584, %and3A_610 : vector<16xi32>
      %neg3A_612 = arith.constant 0.000000e+00 : f32
      %neg3A_613 = vector.broadcast %neg3A_612 : f32 to vector<16xf32>
      %neg3A_614 = arith.subf %neg3A_613, %masked_cumsum3A_596 : vector<16xf32>
      tpu.vector_store_idx %arg10[%shift_right_logical3A_608, %and3A_611], %neg3A_614 masked %and3A_593 {add = true} : memref<48x128xf32, #tpu.memory_space<vmem>>[vector<16xi32>, vector<16xi32>], vector<16xf32>, vector<16xi1>
      %neg3A_615 = arith.constant 0.000000e+00 : f32
      %neg3A_616 = vector.broadcast %neg3A_615 : f32 to vector<16xf32>
      %neg3A_617 = arith.subf %neg3A_616, %masked_cumsum3A_599 : vector<16xf32>
      tpu.vector_store_idx %arg11[%shift_right_logical3A_608, %and3A_611], %neg3A_617 masked %and3A_593 {add = true} : memref<48x128xf32, #tpu.memory_space<vmem>>[vector<16xi32>, vector<16xi32>], vector<16xf32>, vector<16xi1>
    }
    %convert_element_type3A_78 = arith.extui %eq3A_1 : i1 to i32
    %cond3A_79 = arith.constant 0 : i32
    %cond3A_80 = arith.cmpi ne, %convert_element_type3A_78, %cond3A_79 : i32
    scf.if %cond3A_80 {
      %get3A_411 = arith.constant 5888 : index
      %get3A_412 = tpu.vector_load %arg6[%get3A_411] {strides = array<i32>} : memref<6288xi32, #tpu.memory_space<vmem>>, vector<16xi32>,
      %get3A_413 = arith.constant 5888 : index
      %get3A_414 = tpu.vector_load %arg7[%get3A_413] {strides = array<i32>} : memref<6272xf32, #tpu.memory_space<vmem>>, vector<16xf32>,
      %get3A_415 = arith.constant 5888 : index
      %get3A_416 = tpu.vector_load %arg8[%get3A_415] {strides = array<i32>} : memref<6272xf32, #tpu.memory_space<vmem>>, vector<16xf32>,
      %div3A_417 = arith.constant 1.000000e+00 : f32
      %div3A_418 = vector.broadcast %div3A_417 : f32 to vector<16xf32>
      %div3A_419 = arith.divf %div3A_418, %get3A_416 : vector<16xf32>
      %mul3A_420 = arith.mulf %get3A_414, %div3A_419 : vector<16xf32>
      %swap3A_421 = arith.constant 5888 : index
      %swap3A_422 = tpu.vector_load %arg9[%swap3A_421] {strides = array<i32>} : memref<6272xf32, #tpu.memory_space<vmem>>, vector<16xf32>,
      tpu.vector_store %arg9[%swap3A_421], %div3A_419 {strides = array<i32>} : memref<6272xf32, #tpu.memory_space<vmem>>, vector<16xf32>,
      %get3A_423 = arith.constant 5889 : index
      %get3A_424 = tpu.vector_load %arg6[%get3A_423] {strides = array<i32>} : memref<6288xi32, #tpu.memory_space<vmem>>, vector<16xi32>,
      %ne3A = arith.cmpi ne, %get3A_412, %get3A_424 : vector<16xi32>
      %eq3A_425 = arith.constant 15 : i32
      %eq3A_426 = vector.broadcast %eq3A_425 : i32 to vector<16xi32>
      %eq3A_427 = arith.cmpi eq, %iota3A, %eq3A_426 : vector<16xi32>
      %or3A = arith.ori %ne3A, %eq3A_427 : vector<16xi1>
      %ne3A_428 = arith.constant 15 : i32
      %ne3A_429 = vector.broadcast %ne3A_428 : i32 to vector<16xi32>
      %ne3A_430 = arith.cmpi ne, %iota3A, %ne3A_429 : vector<16xi32>
      %and3A = arith.andi %ne3A, %ne3A_430 : vector<16xi1>
      %broadcast_in_dim3A_431 = arith.constant true
      %broadcast_in_dim3A_432 = vector.broadcast %broadcast_in_dim3A_431 : i1 to vector<16xi1>
      %masked_cumsum3A = tpu.scan <sum>, %div3A_419 masked %broadcast_in_dim3A_432 : vector<16xf32>, vector<16xi1> -> vector<16xf32>
      %broadcast_in_dim3A_433 = arith.constant true
      %broadcast_in_dim3A_434 = vector.broadcast %broadcast_in_dim3A_433 : i1 to vector<16xi1>
      %masked_cumsum3A_435 = tpu.scan <sum>, %mul3A_420 masked %broadcast_in_dim3A_434 : vector<16xf32>, vector<16xi1> -> vector<16xf32>
      %shift_right_logical3A = arith.constant 7 : i32
      %shift_right_logical3A_436 = vector.broadcast %shift_right_logical3A : i32 to vector<16xi32>
      %shift_right_logical3A_437 = arith.shrui %get3A_412, %shift_right_logical3A_436 : vector<16xi32>
      %and3A_438 = arith.constant 127 : i32
      %and3A_439 = vector.broadcast %and3A_438 : i32 to vector<16xi32>
      %and3A_440 = arith.andi %get3A_412, %and3A_439 : vector<16xi32>
      tpu.vector_store_idx %arg10[%shift_right_logical3A_437, %and3A_440], %masked_cumsum3A masked %or3A {add = true} : memref<48x128xf32, #tpu.memory_space<vmem>>[vector<16xi32>, vector<16xi32>], vector<16xf32>, vector<16xi1>
      tpu.vector_store_idx %arg11[%shift_right_logical3A_437, %and3A_440], %masked_cumsum3A_435 masked %or3A {add = true} : memref<48x128xf32, #tpu.memory_space<vmem>>[vector<16xi32>, vector<16xi32>], vector<16xf32>, vector<16xi1>
      %shift_right_logical3A_441 = arith.constant 7 : i32
      %shift_right_logical3A_442 = vector.broadcast %shift_right_logical3A_441 : i32 to vector<16xi32>
      %shift_right_logical3A_443 = arith.shrui %get3A_424, %shift_right_logical3A_442 : vector<16xi32>
      %and3A_444 = arith.constant 127 : i32
      %and3A_445 = vector.broadcast %and3A_444 : i32 to vector<16xi32>
      %and3A_446 = arith.andi %get3A_424, %and3A_445 : vector<16xi32>
      %neg3A = arith.constant 0.000000e+00 : f32
      %neg3A_447 = vector.broadcast %neg3A : f32 to vector<16xf32>
      %neg3A_448 = arith.subf %neg3A_447, %masked_cumsum3A : vector<16xf32>
      tpu.vector_store_idx %arg10[%shift_right_logical3A_443, %and3A_446], %neg3A_448 masked %and3A {add = true} : memref<48x128xf32, #tpu.memory_space<vmem>>[vector<16xi32>, vector<16xi32>], vector<16xf32>, vector<16xi1>
      %neg3A_449 = arith.constant 0.000000e+00 : f32
      %neg3A_450 = vector.broadcast %neg3A_449 : f32 to vector<16xf32>
      %neg3A_451 = arith.subf %neg3A_450, %masked_cumsum3A_435 : vector<16xf32>
      tpu.vector_store_idx %arg11[%shift_right_logical3A_443, %and3A_446], %neg3A_451 masked %and3A {add = true} : memref<48x128xf32, #tpu.memory_space<vmem>>[vector<16xi32>, vector<16xi32>], vector<16xf32>, vector<16xi1>
      %get3A_452 = arith.constant 5904 : index
      %get3A_453 = tpu.vector_load %arg6[%get3A_452] {strides = array<i32>} : memref<6288xi32, #tpu.memory_space<vmem>>, vector<16xi32>,
      %get3A_454 = arith.constant 5904 : index
      %get3A_455 = tpu.vector_load %arg7[%get3A_454] {strides = array<i32>} : memref<6272xf32, #tpu.memory_space<vmem>>, vector<16xf32>,
      %get3A_456 = arith.constant 5904 : index
      %get3A_457 = tpu.vector_load %arg8[%get3A_456] {strides = array<i32>} : memref<6272xf32, #tpu.memory_space<vmem>>, vector<16xf32>,
      %div3A_458 = arith.constant 1.000000e+00 : f32
      %div3A_459 = vector.broadcast %div3A_458 : f32 to vector<16xf32>
      %div3A_460 = arith.divf %div3A_459, %get3A_457 : vector<16xf32>
      %mul3A_461 = arith.mulf %get3A_455, %div3A_460 : vector<16xf32>
      %swap3A_462 = arith.constant 5904 : index
      %swap3A_463 = tpu.vector_load %arg9[%swap3A_462] {strides = array<i32>} : memref<6272xf32, #tpu.memory_space<vmem>>, vector<16xf32>,
      tpu.vector_store %arg9[%swap3A_462], %div3A_460 {strides = array<i32>} : memref<6272xf32, #tpu.memory_space<vmem>>, vector<16xf32>,
      %get3A_464 = arith.constant 5905 : index
      %get3A_465 = tpu.vector_load %arg6[%get3A_464] {strides = array<i32>} : memref<6288xi32, #tpu.memory_space<vmem>>, vector<16xi32>,
      %ne3A_466 = arith.cmpi ne, %get3A_453, %get3A_465 : vector<16xi32>
      %eq3A_467 = arith.constant 15 : i32
      %eq3A_468 = vector.broadcast %eq3A_467 : i32 to vector<16xi32>
      %eq3A_469 = arith.cmpi eq, %iota3A, %eq3A_468 : vector<16xi32>
      %or3A_470 = arith.ori %ne3A_466, %eq3A_469 : vector<16xi1>
      %ne3A_471 = arith.constant 15 : i32
      %ne3A_472 = vector.broadcast %ne3A_471 : i32 to vector<16xi32>
      %ne3A_473 = arith.cmpi ne, %iota3A, %ne3A_472 : vector<16xi32>
      %and3A_474 = arith.andi %ne3A_466, %ne3A_473 : vector<16xi1>
      %broadcast_in_dim3A_475 = arith.constant true
      %broadcast_in_dim3A_476 = vector.broadcast %broadcast_in_dim3A_475 : i1 to vector<16xi1>
      %masked_cumsum3A_477 = tpu.scan <sum>, %div3A_460 masked %broadcast_in_dim3A_476 : vector<16xf32>, vector<16xi1> -> vector<16xf32>
      %broadcast_in_dim3A_478 = arith.constant true
      %broadcast_in_dim3A_479 = vector.broadcast %broadcast_in_dim3A_478 : i1 to vector<16xi1>
      %masked_cumsum3A_480 = tpu.scan <sum>, %mul3A_461 masked %broadcast_in_dim3A_479 : vector<16xf32>, vector<16xi1> -> vector<16xf32>
      %shift_right_logical3A_481 = arith.constant 7 : i32
      %shift_right_logical3A_482 = vector.broadcast %shift_right_logical3A_481 : i32 to vector<16xi32>
      %shift_right_logical3A_483 = arith.shrui %get3A_453, %shift_right_logical3A_482 : vector<16xi32>
      %and3A_484 = arith.constant 127 : i32
      %and3A_485 = vector.broadcast %and3A_484 : i32 to vector<16xi32>
      %and3A_486 = arith.andi %get3A_453, %and3A_485 : vector<16xi32>
      tpu.vector_store_idx %arg10[%shift_right_logical3A_483, %and3A_486], %masked_cumsum3A_477 masked %or3A_470 {add = true} : memref<48x128xf32, #tpu.memory_space<vmem>>[vector<16xi32>, vector<16xi32>], vector<16xf32>, vector<16xi1>
      tpu.vector_store_idx %arg11[%shift_right_logical3A_483, %and3A_486], %masked_cumsum3A_480 masked %or3A_470 {add = true} : memref<48x128xf32, #tpu.memory_space<vmem>>[vector<16xi32>, vector<16xi32>], vector<16xf32>, vector<16xi1>
      %shift_right_logical3A_487 = arith.constant 7 : i32
      %shift_right_logical3A_488 = vector.broadcast %shift_right_logical3A_487 : i32 to vector<16xi32>
      %shift_right_logical3A_489 = arith.shrui %get3A_465, %shift_right_logical3A_488 : vector<16xi32>
      %and3A_490 = arith.constant 127 : i32
      %and3A_491 = vector.broadcast %and3A_490 : i32 to vector<16xi32>
      %and3A_492 = arith.andi %get3A_465, %and3A_491 : vector<16xi32>
      %neg3A_493 = arith.constant 0.000000e+00 : f32
      %neg3A_494 = vector.broadcast %neg3A_493 : f32 to vector<16xf32>
      %neg3A_495 = arith.subf %neg3A_494, %masked_cumsum3A_477 : vector<16xf32>
      tpu.vector_store_idx %arg10[%shift_right_logical3A_489, %and3A_492], %neg3A_495 masked %and3A_474 {add = true} : memref<48x128xf32, #tpu.memory_space<vmem>>[vector<16xi32>, vector<16xi32>], vector<16xf32>, vector<16xi1>
      %neg3A_496 = arith.constant 0.000000e+00 : f32
      %neg3A_497 = vector.broadcast %neg3A_496 : f32 to vector<16xf32>
      %neg3A_498 = arith.subf %neg3A_497, %masked_cumsum3A_480 : vector<16xf32>
      tpu.vector_store_idx %arg11[%shift_right_logical3A_489, %and3A_492], %neg3A_498 masked %and3A_474 {add = true} : memref<48x128xf32, #tpu.memory_space<vmem>>[vector<16xi32>, vector<16xi32>], vector<16xf32>, vector<16xi1>
    } else {
    }
    "tpu.trace_stop"() : () -> ()
    "tpu.trace_start"() <{level = 10 : i32, message = "merge"}> : () -> ()
    "tpu.region"() ({
      %run_scoped3A = tpu.sem_alloc : memref<!tpu.dma_semaphore, #tpu.memory_space<semaphore_mem>>
      %dma_start3A_411 = arith.constant 0 : i32
      %dma_start3A_412 = arith.constant 0 : i32
      %dma_start3A_413 = tpu.memref_slice %arg18[%dma_start3A_411, %dma_start3A_412] : memref<48x128xf32, #tpu.memory_space<vmem_shared>> -> memref<48x128xf32, #tpu.memory_space<vmem_shared>>
      tpu.enqueue_indirect_dma source(%arg10 : memref<48x128xf32, #tpu.memory_space<vmem>>) target(%dma_start3A_413 : memref<48x128xf32, #tpu.memory_space<vmem_shared>>) offsets(%arg16 : memref<48xi32, #tpu.memory_space<vmem>>) semaphore(%run_scoped3A : memref<!tpu.dma_semaphore, #tpu.memory_space<semaphore_mem>>) {add = true}
      %dma_wait3A_414 = arith.constant 0 : i32
      %dma_wait3A_415 = arith.constant 0 : i32
      %dma_wait3A_416 = tpu.memref_slice %arg18[%dma_wait3A_414, %dma_wait3A_415] : memref<48x128xf32, #tpu.memory_space<vmem_shared>> -> memref<48x128xf32, #tpu.memory_space<vmem_shared>>
      tpu.wait_indirect_dma semaphore(%run_scoped3A : memref<!tpu.dma_semaphore, #tpu.memory_space<semaphore_mem>>) src(%arg10 : memref<48x128xf32, #tpu.memory_space<vmem>>) dst(%dma_wait3A_416 : memref<48x128xf32, #tpu.memory_space<vmem_shared>>)
      tpu.yield
    }) : () -> ()
    "tpu.region"() ({
      %run_scoped3A = tpu.sem_alloc : memref<!tpu.dma_semaphore, #tpu.memory_space<semaphore_mem>>
      %dma_start3A_411 = arith.constant 0 : i32
      %dma_start3A_412 = arith.constant 0 : i32
      %dma_start3A_413 = tpu.memref_slice %arg19[%dma_start3A_411, %dma_start3A_412] : memref<48x128xf32, #tpu.memory_space<vmem_shared>> -> memref<48x128xf32, #tpu.memory_space<vmem_shared>>
      tpu.enqueue_indirect_dma source(%arg11 : memref<48x128xf32, #tpu.memory_space<vmem>>) target(%dma_start3A_413 : memref<48x128xf32, #tpu.memory_space<vmem_shared>>) offsets(%arg16 : memref<48xi32, #tpu.memory_space<vmem>>) semaphore(%run_scoped3A : memref<!tpu.dma_semaphore, #tpu.memory_space<semaphore_mem>>) {add = true}
      %dma_wait3A_414 = arith.constant 0 : i32
      %dma_wait3A_415 = arith.constant 0 : i32
      %dma_wait3A_416 = tpu.memref_slice %arg19[%dma_wait3A_414, %dma_wait3A_415] : memref<48x128xf32, #tpu.memory_space<vmem_shared>> -> memref<48x128xf32, #tpu.memory_space<vmem_shared>>
      tpu.wait_indirect_dma semaphore(%run_scoped3A : memref<!tpu.dma_semaphore, #tpu.memory_space<semaphore_mem>>) src(%arg11 : memref<48x128xf32, #tpu.memory_space<vmem>>) dst(%dma_wait3A_416 : memref<48x128xf32, #tpu.memory_space<vmem_shared>>)
      tpu.yield
    }) : () -> ()
    "tpu.trace_stop"() : () -> ()
    %barrier3A_81 = arith.constant 0 : index
    tpu.barrier barrier_id(%barrier3A_81)
    "tpu.trace_start"() <{level = 10 : i32, message = "ratio"}> : () -> ()
    %mul3A_82 = arith.constant 3 : i32
    %mul3A_83 = arith.muli %arg1, %mul3A_82 : i32
    "tpu.region"() ({
      %run_scoped3A = tpu.sem_alloc : memref<!tpu.dma_semaphore, #tpu.memory_space<semaphore_mem>>
      %dma_start3A_411 = arith.constant 0 : i32
      %dma_start3A_412 = tpu.memref_slice %arg18[%mul3A_83, %dma_start3A_411] : memref<48x128xf32, #tpu.memory_space<vmem_shared>> -> memref<3x128xf32, #tpu.memory_space<vmem_shared>>
      %dma_start3A_413 = arith.constant 0 : i32
      %dma_start3A_414 = tpu.memref_slice %arg18[%mul3A_83, %dma_start3A_413] : memref<48x128xf32, #tpu.memory_space<vmem_shared>> -> memref<3x128xf32, #tpu.memory_space<vmem_shared>>
      tpu.enqueue_dma source(%dma_start3A_414 : memref<3x128xf32, #tpu.memory_space<vmem_shared>>) target(%arg13 : memref<3x128xf32, #tpu.memory_space<vmem>>) target_semaphore(%run_scoped3A : memref<!tpu.dma_semaphore, #tpu.memory_space<semaphore_mem>>)
      %dma_wait3A_415 = arith.constant 0 : i32
      %dma_wait3A_416 = tpu.memref_slice %arg18[%mul3A_83, %dma_wait3A_415] : memref<48x128xf32, #tpu.memory_space<vmem_shared>> -> memref<3x128xf32, #tpu.memory_space<vmem_shared>>
      %dma_wait3A_417 = arith.constant 0 : i32
      %dma_wait3A_418 = tpu.memref_slice %arg18[%mul3A_83, %dma_wait3A_417] : memref<48x128xf32, #tpu.memory_space<vmem_shared>> -> memref<3x128xf32, #tpu.memory_space<vmem_shared>>
      tpu.wait_dma2 semaphore(%run_scoped3A : memref<!tpu.dma_semaphore, #tpu.memory_space<semaphore_mem>>) src(%dma_wait3A_418 : memref<3x128xf32, #tpu.memory_space<vmem_shared>>) dst(%arg13 : memref<3x128xf32, #tpu.memory_space<vmem>>)
      tpu.yield
    }) : () -> ()
    "tpu.region"() ({
      %run_scoped3A = tpu.sem_alloc : memref<!tpu.dma_semaphore, #tpu.memory_space<semaphore_mem>>
      %dma_start3A_411 = arith.constant 0 : i32
      %dma_start3A_412 = tpu.memref_slice %arg19[%mul3A_83, %dma_start3A_411] : memref<48x128xf32, #tpu.memory_space<vmem_shared>> -> memref<3x128xf32, #tpu.memory_space<vmem_shared>>
      %dma_start3A_413 = arith.constant 0 : i32
      %dma_start3A_414 = tpu.memref_slice %arg19[%mul3A_83, %dma_start3A_413] : memref<48x128xf32, #tpu.memory_space<vmem_shared>> -> memref<3x128xf32, #tpu.memory_space<vmem_shared>>
      tpu.enqueue_dma source(%dma_start3A_414 : memref<3x128xf32, #tpu.memory_space<vmem_shared>>) target(%arg14 : memref<3x128xf32, #tpu.memory_space<vmem>>) target_semaphore(%run_scoped3A : memref<!tpu.dma_semaphore, #tpu.memory_space<semaphore_mem>>)
      %dma_wait3A_415 = arith.constant 0 : i32
      %dma_wait3A_416 = tpu.memref_slice %arg19[%mul3A_83, %dma_wait3A_415] : memref<48x128xf32, #tpu.memory_space<vmem_shared>> -> memref<3x128xf32, #tpu.memory_space<vmem_shared>>
      %dma_wait3A_417 = arith.constant 0 : i32
      %dma_wait3A_418 = tpu.memref_slice %arg19[%mul3A_83, %dma_wait3A_417] : memref<48x128xf32, #tpu.memory_space<vmem_shared>> -> memref<3x128xf32, #tpu.memory_space<vmem_shared>>
      tpu.wait_dma2 semaphore(%run_scoped3A : memref<!tpu.dma_semaphore, #tpu.memory_space<semaphore_mem>>) src(%dma_wait3A_418 : memref<3x128xf32, #tpu.memory_space<vmem_shared>>) dst(%arg14 : memref<3x128xf32, #tpu.memory_space<vmem>>)
      tpu.yield
    }) : () -> ()
    %get3A = arith.constant 0 : i32
    %get3A_84 = arith.index_cast %get3A : i32 to index
    %get3A_85 = arith.constant 0 : index
    %get3A_86 = tpu.vector_load %arg14[%get3A_84, %get3A_85] {strides = array<i32>} : memref<3x128xf32, #tpu.memory_space<vmem>>, vector<16xf32>,
    %get3A_87 = arith.constant 0 : i32
    %get3A_88 = arith.index_cast %get3A_87 : i32 to index
    %get3A_89 = arith.constant 0 : index
    %get3A_90 = tpu.vector_load %arg13[%get3A_88, %get3A_89] {strides = array<i32>} : memref<3x128xf32, #tpu.memory_space<vmem>>, vector<16xf32>,
    %div3A = arith.divf %get3A_86, %get3A_90 : vector<16xf32>
    %swap3A_91 = arith.constant 0 : i32
    %swap3A_92 = arith.index_cast %swap3A_91 : i32 to index
    %swap3A_93 = arith.constant 0 : index
    %swap3A_94 = tpu.vector_load %arg12[%swap3A_92, %swap3A_93] {strides = array<i32>} : memref<3x128xf32, #tpu.memory_space<vmem>>, vector<16xf32>,
    tpu.vector_store %arg12[%swap3A_92, %swap3A_93], %div3A {strides = array<i32>} : memref<3x128xf32, #tpu.memory_space<vmem>>, vector<16xf32>,
    %get3A_95 = arith.constant 0 : i32
    %get3A_96 = arith.index_cast %get3A_95 : i32 to index
    %get3A_97 = arith.constant 16 : index
    %get3A_98 = tpu.vector_load %arg14[%get3A_96, %get3A_97] {strides = array<i32>} : memref<3x128xf32, #tpu.memory_space<vmem>>, vector<16xf32>,
    %get3A_99 = arith.constant 0 : i32
    %get3A_100 = arith.index_cast %get3A_99 : i32 to index
    %get3A_101 = arith.constant 16 : index
    %get3A_102 = tpu.vector_load %arg13[%get3A_100, %get3A_101] {strides = array<i32>} : memref<3x128xf32, #tpu.memory_space<vmem>>, vector<16xf32>,
    %div3A_103 = arith.divf %get3A_98, %get3A_102 : vector<16xf32>
    %swap3A_104 = arith.constant 0 : i32
    %swap3A_105 = arith.index_cast %swap3A_104 : i32 to index
    %swap3A_106 = arith.constant 16 : index
    %swap3A_107 = tpu.vector_load %arg12[%swap3A_105, %swap3A_106] {strides = array<i32>} : memref<3x128xf32, #tpu.memory_space<vmem>>, vector<16xf32>,
    tpu.vector_store %arg12[%swap3A_105, %swap3A_106], %div3A_103 {strides = array<i32>} : memref<3x128xf32, #tpu.memory_space<vmem>>, vector<16xf32>,
    %get3A_108 = arith.constant 0 : i32
    %get3A_109 = arith.index_cast %get3A_108 : i32 to index
    %get3A_110 = arith.constant 32 : index
    %get3A_111 = tpu.vector_load %arg14[%get3A_109, %get3A_110] {strides = array<i32>} : memref<3x128xf32, #tpu.memory_space<vmem>>, vector<16xf32>,
    %get3A_112 = arith.constant 0 : i32
    %get3A_113 = arith.index_cast %get3A_112 : i32 to index
    %get3A_114 = arith.constant 32 : index
    %get3A_115 = tpu.vector_load %arg13[%get3A_113, %get3A_114] {strides = array<i32>} : memref<3x128xf32, #tpu.memory_space<vmem>>, vector<16xf32>,
    %div3A_116 = arith.divf %get3A_111, %get3A_115 : vector<16xf32>
    %swap3A_117 = arith.constant 0 : i32
    %swap3A_118 = arith.index_cast %swap3A_117 : i32 to index
    %swap3A_119 = arith.constant 32 : index
    %swap3A_120 = tpu.vector_load %arg12[%swap3A_118, %swap3A_119] {strides = array<i32>} : memref<3x128xf32, #tpu.memory_space<vmem>>, vector<16xf32>,
    tpu.vector_store %arg12[%swap3A_118, %swap3A_119], %div3A_116 {strides = array<i32>} : memref<3x128xf32, #tpu.memory_space<vmem>>, vector<16xf32>,
    %get3A_121 = arith.constant 0 : i32
    %get3A_122 = arith.index_cast %get3A_121 : i32 to index
    %get3A_123 = arith.constant 48 : index
    %get3A_124 = tpu.vector_load %arg14[%get3A_122, %get3A_123] {strides = array<i32>} : memref<3x128xf32, #tpu.memory_space<vmem>>, vector<16xf32>,
    %get3A_125 = arith.constant 0 : i32
    %get3A_126 = arith.index_cast %get3A_125 : i32 to index
    %get3A_127 = arith.constant 48 : index
    %get3A_128 = tpu.vector_load %arg13[%get3A_126, %get3A_127] {strides = array<i32>} : memref<3x128xf32, #tpu.memory_space<vmem>>, vector<16xf32>,
    %div3A_129 = arith.divf %get3A_124, %get3A_128 : vector<16xf32>
    %swap3A_130 = arith.constant 0 : i32
    %swap3A_131 = arith.index_cast %swap3A_130 : i32 to index
    %swap3A_132 = arith.constant 48 : index
    %swap3A_133 = tpu.vector_load %arg12[%swap3A_131, %swap3A_132] {strides = array<i32>} : memref<3x128xf32, #tpu.memory_space<vmem>>, vector<16xf32>,
    tpu.vector_store %arg12[%swap3A_131, %swap3A_132], %div3A_129 {strides = array<i32>} : memref<3x128xf32, #tpu.memory_space<vmem>>, vector<16xf32>,
    %get3A_134 = arith.constant 0 : i32
    %get3A_135 = arith.index_cast %get3A_134 : i32 to index
    %get3A_136 = arith.constant 64 : index
    %get3A_137 = tpu.vector_load %arg14[%get3A_135, %get3A_136] {strides = array<i32>} : memref<3x128xf32, #tpu.memory_space<vmem>>, vector<16xf32>,
    %get3A_138 = arith.constant 0 : i32
    %get3A_139 = arith.index_cast %get3A_138 : i32 to index
    %get3A_140 = arith.constant 64 : index
    %get3A_141 = tpu.vector_load %arg13[%get3A_139, %get3A_140] {strides = array<i32>} : memref<3x128xf32, #tpu.memory_space<vmem>>, vector<16xf32>,
    %div3A_142 = arith.divf %get3A_137, %get3A_141 : vector<16xf32>
    %swap3A_143 = arith.constant 0 : i32
    %swap3A_144 = arith.index_cast %swap3A_143 : i32 to index
    %swap3A_145 = arith.constant 64 : index
    %swap3A_146 = tpu.vector_load %arg12[%swap3A_144, %swap3A_145] {strides = array<i32>} : memref<3x128xf32, #tpu.memory_space<vmem>>, vector<16xf32>,
    tpu.vector_store %arg12[%swap3A_144, %swap3A_145], %div3A_142 {strides = array<i32>} : memref<3x128xf32, #tpu.memory_space<vmem>>, vector<16xf32>,
    %get3A_147 = arith.constant 0 : i32
    %get3A_148 = arith.index_cast %get3A_147 : i32 to index
    %get3A_149 = arith.constant 80 : index
    %get3A_150 = tpu.vector_load %arg14[%get3A_148, %get3A_149] {strides = array<i32>} : memref<3x128xf32, #tpu.memory_space<vmem>>, vector<16xf32>,
    %get3A_151 = arith.constant 0 : i32
    %get3A_152 = arith.index_cast %get3A_151 : i32 to index
    %get3A_153 = arith.constant 80 : index
    %get3A_154 = tpu.vector_load %arg13[%get3A_152, %get3A_153] {strides = array<i32>} : memref<3x128xf32, #tpu.memory_space<vmem>>, vector<16xf32>,
    %div3A_155 = arith.divf %get3A_150, %get3A_154 : vector<16xf32>
    %swap3A_156 = arith.constant 0 : i32
    %swap3A_157 = arith.index_cast %swap3A_156 : i32 to index
    %swap3A_158 = arith.constant 80 : index
    %swap3A_159 = tpu.vector_load %arg12[%swap3A_157, %swap3A_158] {strides = array<i32>} : memref<3x128xf32, #tpu.memory_space<vmem>>, vector<16xf32>,
    tpu.vector_store %arg12[%swap3A_157, %swap3A_158], %div3A_155 {strides = array<i32>} : memref<3x128xf32, #tpu.memory_space<vmem>>, vector<16xf32>,
    %get3A_160 = arith.constant 0 : i32
    %get3A_161 = arith.index_cast %get3A_160 : i32 to index
    %get3A_162 = arith.constant 96 : index
    %get3A_163 = tpu.vector_load %arg14[%get3A_161, %get3A_162] {strides = array<i32>} : memref<3x128xf32, #tpu.memory_space<vmem>>, vector<16xf32>,
    %get3A_164 = arith.constant 0 : i32
    %get3A_165 = arith.index_cast %get3A_164 : i32 to index
    %get3A_166 = arith.constant 96 : index
    %get3A_167 = tpu.vector_load %arg13[%get3A_165, %get3A_166] {strides = array<i32>} : memref<3x128xf32, #tpu.memory_space<vmem>>, vector<16xf32>,
    %div3A_168 = arith.divf %get3A_163, %get3A_167 : vector<16xf32>
    %swap3A_169 = arith.constant 0 : i32
    %swap3A_170 = arith.index_cast %swap3A_169 : i32 to index
    %swap3A_171 = arith.constant 96 : index
    %swap3A_172 = tpu.vector_load %arg12[%swap3A_170, %swap3A_171] {strides = array<i32>} : memref<3x128xf32, #tpu.memory_space<vmem>>, vector<16xf32>,
    tpu.vector_store %arg12[%swap3A_170, %swap3A_171], %div3A_168 {strides = array<i32>} : memref<3x128xf32, #tpu.memory_space<vmem>>, vector<16xf32>,
    %get3A_173 = arith.constant 0 : i32
    %get3A_174 = arith.index_cast %get3A_173 : i32 to index
    %get3A_175 = arith.constant 112 : index
    %get3A_176 = tpu.vector_load %arg14[%get3A_174, %get3A_175] {strides = array<i32>} : memref<3x128xf32, #tpu.memory_space<vmem>>, vector<16xf32>,
    %get3A_177 = arith.constant 0 : i32
    %get3A_178 = arith.index_cast %get3A_177 : i32 to index
    %get3A_179 = arith.constant 112 : index
    %get3A_180 = tpu.vector_load %arg13[%get3A_178, %get3A_179] {strides = array<i32>} : memref<3x128xf32, #tpu.memory_space<vmem>>, vector<16xf32>,
    %div3A_181 = arith.divf %get3A_176, %get3A_180 : vector<16xf32>
    %swap3A_182 = arith.constant 0 : i32
    %swap3A_183 = arith.index_cast %swap3A_182 : i32 to index
    %swap3A_184 = arith.constant 112 : index
    %swap3A_185 = tpu.vector_load %arg12[%swap3A_183, %swap3A_184] {strides = array<i32>} : memref<3x128xf32, #tpu.memory_space<vmem>>, vector<16xf32>,
    tpu.vector_store %arg12[%swap3A_183, %swap3A_184], %div3A_181 {strides = array<i32>} : memref<3x128xf32, #tpu.memory_space<vmem>>, vector<16xf32>,
    %get3A_186 = arith.constant 1 : i32
    %get3A_187 = arith.index_cast %get3A_186 : i32 to index
    %get3A_188 = arith.constant 0 : index
    %get3A_189 = tpu.vector_load %arg14[%get3A_187, %get3A_188] {strides = array<i32>} : memref<3x128xf32, #tpu.memory_space<vmem>>, vector<16xf32>,
    %get3A_190 = arith.constant 1 : i32
    %get3A_191 = arith.index_cast %get3A_190 : i32 to index
    %get3A_192 = arith.constant 0 : index
    %get3A_193 = tpu.vector_load %arg13[%get3A_191, %get3A_192] {strides = array<i32>} : memref<3x128xf32, #tpu.memory_space<vmem>>, vector<16xf32>,
    %div3A_194 = arith.divf %get3A_189, %get3A_193 : vector<16xf32>
    %swap3A_195 = arith.constant 1 : i32
    %swap3A_196 = arith.index_cast %swap3A_195 : i32 to index
    %swap3A_197 = arith.constant 0 : index
    %swap3A_198 = tpu.vector_load %arg12[%swap3A_196, %swap3A_197] {strides = array<i32>} : memref<3x128xf32, #tpu.memory_space<vmem>>, vector<16xf32>,
    tpu.vector_store %arg12[%swap3A_196, %swap3A_197], %div3A_194 {strides = array<i32>} : memref<3x128xf32, #tpu.memory_space<vmem>>, vector<16xf32>,
    %get3A_199 = arith.constant 1 : i32
    %get3A_200 = arith.index_cast %get3A_199 : i32 to index
    %get3A_201 = arith.constant 16 : index
    %get3A_202 = tpu.vector_load %arg14[%get3A_200, %get3A_201] {strides = array<i32>} : memref<3x128xf32, #tpu.memory_space<vmem>>, vector<16xf32>,
    %get3A_203 = arith.constant 1 : i32
    %get3A_204 = arith.index_cast %get3A_203 : i32 to index
    %get3A_205 = arith.constant 16 : index
    %get3A_206 = tpu.vector_load %arg13[%get3A_204, %get3A_205] {strides = array<i32>} : memref<3x128xf32, #tpu.memory_space<vmem>>, vector<16xf32>,
    %div3A_207 = arith.divf %get3A_202, %get3A_206 : vector<16xf32>
    %swap3A_208 = arith.constant 1 : i32
    %swap3A_209 = arith.index_cast %swap3A_208 : i32 to index
    %swap3A_210 = arith.constant 16 : index
    %swap3A_211 = tpu.vector_load %arg12[%swap3A_209, %swap3A_210] {strides = array<i32>} : memref<3x128xf32, #tpu.memory_space<vmem>>, vector<16xf32>,
    tpu.vector_store %arg12[%swap3A_209, %swap3A_210], %div3A_207 {strides = array<i32>} : memref<3x128xf32, #tpu.memory_space<vmem>>, vector<16xf32>,
    %get3A_212 = arith.constant 1 : i32
    %get3A_213 = arith.index_cast %get3A_212 : i32 to index
    %get3A_214 = arith.constant 32 : index
    %get3A_215 = tpu.vector_load %arg14[%get3A_213, %get3A_214] {strides = array<i32>} : memref<3x128xf32, #tpu.memory_space<vmem>>, vector<16xf32>,
    %get3A_216 = arith.constant 1 : i32
    %get3A_217 = arith.index_cast %get3A_216 : i32 to index
    %get3A_218 = arith.constant 32 : index
    %get3A_219 = tpu.vector_load %arg13[%get3A_217, %get3A_218] {strides = array<i32>} : memref<3x128xf32, #tpu.memory_space<vmem>>, vector<16xf32>,
    %div3A_220 = arith.divf %get3A_215, %get3A_219 : vector<16xf32>
    %swap3A_221 = arith.constant 1 : i32
    %swap3A_222 = arith.index_cast %swap3A_221 : i32 to index
    %swap3A_223 = arith.constant 32 : index
    %swap3A_224 = tpu.vector_load %arg12[%swap3A_222, %swap3A_223] {strides = array<i32>} : memref<3x128xf32, #tpu.memory_space<vmem>>, vector<16xf32>,
    tpu.vector_store %arg12[%swap3A_222, %swap3A_223], %div3A_220 {strides = array<i32>} : memref<3x128xf32, #tpu.memory_space<vmem>>, vector<16xf32>,
    %get3A_225 = arith.constant 1 : i32
    %get3A_226 = arith.index_cast %get3A_225 : i32 to index
    %get3A_227 = arith.constant 48 : index
    %get3A_228 = tpu.vector_load %arg14[%get3A_226, %get3A_227] {strides = array<i32>} : memref<3x128xf32, #tpu.memory_space<vmem>>, vector<16xf32>,
    %get3A_229 = arith.constant 1 : i32
    %get3A_230 = arith.index_cast %get3A_229 : i32 to index
    %get3A_231 = arith.constant 48 : index
    %get3A_232 = tpu.vector_load %arg13[%get3A_230, %get3A_231] {strides = array<i32>} : memref<3x128xf32, #tpu.memory_space<vmem>>, vector<16xf32>,
    %div3A_233 = arith.divf %get3A_228, %get3A_232 : vector<16xf32>
    %swap3A_234 = arith.constant 1 : i32
    %swap3A_235 = arith.index_cast %swap3A_234 : i32 to index
    %swap3A_236 = arith.constant 48 : index
    %swap3A_237 = tpu.vector_load %arg12[%swap3A_235, %swap3A_236] {strides = array<i32>} : memref<3x128xf32, #tpu.memory_space<vmem>>, vector<16xf32>,
    tpu.vector_store %arg12[%swap3A_235, %swap3A_236], %div3A_233 {strides = array<i32>} : memref<3x128xf32, #tpu.memory_space<vmem>>, vector<16xf32>,
    %get3A_238 = arith.constant 1 : i32
    %get3A_239 = arith.index_cast %get3A_238 : i32 to index
    %get3A_240 = arith.constant 64 : index
    %get3A_241 = tpu.vector_load %arg14[%get3A_239, %get3A_240] {strides = array<i32>} : memref<3x128xf32, #tpu.memory_space<vmem>>, vector<16xf32>,
    %get3A_242 = arith.constant 1 : i32
    %get3A_243 = arith.index_cast %get3A_242 : i32 to index
    %get3A_244 = arith.constant 64 : index
    %get3A_245 = tpu.vector_load %arg13[%get3A_243, %get3A_244] {strides = array<i32>} : memref<3x128xf32, #tpu.memory_space<vmem>>, vector<16xf32>,
    %div3A_246 = arith.divf %get3A_241, %get3A_245 : vector<16xf32>
    %swap3A_247 = arith.constant 1 : i32
    %swap3A_248 = arith.index_cast %swap3A_247 : i32 to index
    %swap3A_249 = arith.constant 64 : index
    %swap3A_250 = tpu.vector_load %arg12[%swap3A_248, %swap3A_249] {strides = array<i32>} : memref<3x128xf32, #tpu.memory_space<vmem>>, vector<16xf32>,
    tpu.vector_store %arg12[%swap3A_248, %swap3A_249], %div3A_246 {strides = array<i32>} : memref<3x128xf32, #tpu.memory_space<vmem>>, vector<16xf32>,
    %get3A_251 = arith.constant 1 : i32
    %get3A_252 = arith.index_cast %get3A_251 : i32 to index
    %get3A_253 = arith.constant 80 : index
    %get3A_254 = tpu.vector_load %arg14[%get3A_252, %get3A_253] {strides = array<i32>} : memref<3x128xf32, #tpu.memory_space<vmem>>, vector<16xf32>,
    %get3A_255 = arith.constant 1 : i32
    %get3A_256 = arith.index_cast %get3A_255 : i32 to index
    %get3A_257 = arith.constant 80 : index
    %get3A_258 = tpu.vector_load %arg13[%get3A_256, %get3A_257] {strides = array<i32>} : memref<3x128xf32, #tpu.memory_space<vmem>>, vector<16xf32>,
    %div3A_259 = arith.divf %get3A_254, %get3A_258 : vector<16xf32>
    %swap3A_260 = arith.constant 1 : i32
    %swap3A_261 = arith.index_cast %swap3A_260 : i32 to index
    %swap3A_262 = arith.constant 80 : index
    %swap3A_263 = tpu.vector_load %arg12[%swap3A_261, %swap3A_262] {strides = array<i32>} : memref<3x128xf32, #tpu.memory_space<vmem>>, vector<16xf32>,
    tpu.vector_store %arg12[%swap3A_261, %swap3A_262], %div3A_259 {strides = array<i32>} : memref<3x128xf32, #tpu.memory_space<vmem>>, vector<16xf32>,
    %get3A_264 = arith.constant 1 : i32
    %get3A_265 = arith.index_cast %get3A_264 : i32 to index
    %get3A_266 = arith.constant 96 : index
    %get3A_267 = tpu.vector_load %arg14[%get3A_265, %get3A_266] {strides = array<i32>} : memref<3x128xf32, #tpu.memory_space<vmem>>, vector<16xf32>,
    %get3A_268 = arith.constant 1 : i32
    %get3A_269 = arith.index_cast %get3A_268 : i32 to index
    %get3A_270 = arith.constant 96 : index
    %get3A_271 = tpu.vector_load %arg13[%get3A_269, %get3A_270] {strides = array<i32>} : memref<3x128xf32, #tpu.memory_space<vmem>>, vector<16xf32>,
    %div3A_272 = arith.divf %get3A_267, %get3A_271 : vector<16xf32>
    %swap3A_273 = arith.constant 1 : i32
    %swap3A_274 = arith.index_cast %swap3A_273 : i32 to index
    %swap3A_275 = arith.constant 96 : index
    %swap3A_276 = tpu.vector_load %arg12[%swap3A_274, %swap3A_275] {strides = array<i32>} : memref<3x128xf32, #tpu.memory_space<vmem>>, vector<16xf32>,
    tpu.vector_store %arg12[%swap3A_274, %swap3A_275], %div3A_272 {strides = array<i32>} : memref<3x128xf32, #tpu.memory_space<vmem>>, vector<16xf32>,
    %get3A_277 = arith.constant 1 : i32
    %get3A_278 = arith.index_cast %get3A_277 : i32 to index
    %get3A_279 = arith.constant 112 : index
    %get3A_280 = tpu.vector_load %arg14[%get3A_278, %get3A_279] {strides = array<i32>} : memref<3x128xf32, #tpu.memory_space<vmem>>, vector<16xf32>,
    %get3A_281 = arith.constant 1 : i32
    %get3A_282 = arith.index_cast %get3A_281 : i32 to index
    %get3A_283 = arith.constant 112 : index
    %get3A_284 = tpu.vector_load %arg13[%get3A_282, %get3A_283] {strides = array<i32>} : memref<3x128xf32, #tpu.memory_space<vmem>>, vector<16xf32>,
    %div3A_285 = arith.divf %get3A_280, %get3A_284 : vector<16xf32>
    %swap3A_286 = arith.constant 1 : i32
    %swap3A_287 = arith.index_cast %swap3A_286 : i32 to index
    %swap3A_288 = arith.constant 112 : index
    %swap3A_289 = tpu.vector_load %arg12[%swap3A_287, %swap3A_288] {strides = array<i32>} : memref<3x128xf32, #tpu.memory_space<vmem>>, vector<16xf32>,
    tpu.vector_store %arg12[%swap3A_287, %swap3A_288], %div3A_285 {strides = array<i32>} : memref<3x128xf32, #tpu.memory_space<vmem>>, vector<16xf32>,
    %get3A_290 = arith.constant 2 : i32
    %get3A_291 = arith.index_cast %get3A_290 : i32 to index
    %get3A_292 = arith.constant 0 : index
    %get3A_293 = tpu.vector_load %arg14[%get3A_291, %get3A_292] {strides = array<i32>} : memref<3x128xf32, #tpu.memory_space<vmem>>, vector<16xf32>,
    %get3A_294 = arith.constant 2 : i32
    %get3A_295 = arith.index_cast %get3A_294 : i32 to index
    %get3A_296 = arith.constant 0 : index
    %get3A_297 = tpu.vector_load %arg13[%get3A_295, %get3A_296] {strides = array<i32>} : memref<3x128xf32, #tpu.memory_space<vmem>>, vector<16xf32>,
    %div3A_298 = arith.divf %get3A_293, %get3A_297 : vector<16xf32>
    %swap3A_299 = arith.constant 2 : i32
    %swap3A_300 = arith.index_cast %swap3A_299 : i32 to index
    %swap3A_301 = arith.constant 0 : index
    %swap3A_302 = tpu.vector_load %arg12[%swap3A_300, %swap3A_301] {strides = array<i32>} : memref<3x128xf32, #tpu.memory_space<vmem>>, vector<16xf32>,
    tpu.vector_store %arg12[%swap3A_300, %swap3A_301], %div3A_298 {strides = array<i32>} : memref<3x128xf32, #tpu.memory_space<vmem>>, vector<16xf32>,
    %get3A_303 = arith.constant 2 : i32
    %get3A_304 = arith.index_cast %get3A_303 : i32 to index
    %get3A_305 = arith.constant 16 : index
    %get3A_306 = tpu.vector_load %arg14[%get3A_304, %get3A_305] {strides = array<i32>} : memref<3x128xf32, #tpu.memory_space<vmem>>, vector<16xf32>,
    %get3A_307 = arith.constant 2 : i32
    %get3A_308 = arith.index_cast %get3A_307 : i32 to index
    %get3A_309 = arith.constant 16 : index
    %get3A_310 = tpu.vector_load %arg13[%get3A_308, %get3A_309] {strides = array<i32>} : memref<3x128xf32, #tpu.memory_space<vmem>>, vector<16xf32>,
    %div3A_311 = arith.divf %get3A_306, %get3A_310 : vector<16xf32>
    %swap3A_312 = arith.constant 2 : i32
    %swap3A_313 = arith.index_cast %swap3A_312 : i32 to index
    %swap3A_314 = arith.constant 16 : index
    %swap3A_315 = tpu.vector_load %arg12[%swap3A_313, %swap3A_314] {strides = array<i32>} : memref<3x128xf32, #tpu.memory_space<vmem>>, vector<16xf32>,
    tpu.vector_store %arg12[%swap3A_313, %swap3A_314], %div3A_311 {strides = array<i32>} : memref<3x128xf32, #tpu.memory_space<vmem>>, vector<16xf32>,
    %get3A_316 = arith.constant 2 : i32
    %get3A_317 = arith.index_cast %get3A_316 : i32 to index
    %get3A_318 = arith.constant 32 : index
    %get3A_319 = tpu.vector_load %arg14[%get3A_317, %get3A_318] {strides = array<i32>} : memref<3x128xf32, #tpu.memory_space<vmem>>, vector<16xf32>,
    %get3A_320 = arith.constant 2 : i32
    %get3A_321 = arith.index_cast %get3A_320 : i32 to index
    %get3A_322 = arith.constant 32 : index
    %get3A_323 = tpu.vector_load %arg13[%get3A_321, %get3A_322] {strides = array<i32>} : memref<3x128xf32, #tpu.memory_space<vmem>>, vector<16xf32>,
    %div3A_324 = arith.divf %get3A_319, %get3A_323 : vector<16xf32>
    %swap3A_325 = arith.constant 2 : i32
    %swap3A_326 = arith.index_cast %swap3A_325 : i32 to index
    %swap3A_327 = arith.constant 32 : index
    %swap3A_328 = tpu.vector_load %arg12[%swap3A_326, %swap3A_327] {strides = array<i32>} : memref<3x128xf32, #tpu.memory_space<vmem>>, vector<16xf32>,
    tpu.vector_store %arg12[%swap3A_326, %swap3A_327], %div3A_324 {strides = array<i32>} : memref<3x128xf32, #tpu.memory_space<vmem>>, vector<16xf32>,
    %get3A_329 = arith.constant 2 : i32
    %get3A_330 = arith.index_cast %get3A_329 : i32 to index
    %get3A_331 = arith.constant 48 : index
    %get3A_332 = tpu.vector_load %arg14[%get3A_330, %get3A_331] {strides = array<i32>} : memref<3x128xf32, #tpu.memory_space<vmem>>, vector<16xf32>,
    %get3A_333 = arith.constant 2 : i32
    %get3A_334 = arith.index_cast %get3A_333 : i32 to index
    %get3A_335 = arith.constant 48 : index
    %get3A_336 = tpu.vector_load %arg13[%get3A_334, %get3A_335] {strides = array<i32>} : memref<3x128xf32, #tpu.memory_space<vmem>>, vector<16xf32>,
    %div3A_337 = arith.divf %get3A_332, %get3A_336 : vector<16xf32>
    %swap3A_338 = arith.constant 2 : i32
    %swap3A_339 = arith.index_cast %swap3A_338 : i32 to index
    %swap3A_340 = arith.constant 48 : index
    %swap3A_341 = tpu.vector_load %arg12[%swap3A_339, %swap3A_340] {strides = array<i32>} : memref<3x128xf32, #tpu.memory_space<vmem>>, vector<16xf32>,
    tpu.vector_store %arg12[%swap3A_339, %swap3A_340], %div3A_337 {strides = array<i32>} : memref<3x128xf32, #tpu.memory_space<vmem>>, vector<16xf32>,
    %get3A_342 = arith.constant 2 : i32
    %get3A_343 = arith.index_cast %get3A_342 : i32 to index
    %get3A_344 = arith.constant 64 : index
    %get3A_345 = tpu.vector_load %arg14[%get3A_343, %get3A_344] {strides = array<i32>} : memref<3x128xf32, #tpu.memory_space<vmem>>, vector<16xf32>,
    %get3A_346 = arith.constant 2 : i32
    %get3A_347 = arith.index_cast %get3A_346 : i32 to index
    %get3A_348 = arith.constant 64 : index
    %get3A_349 = tpu.vector_load %arg13[%get3A_347, %get3A_348] {strides = array<i32>} : memref<3x128xf32, #tpu.memory_space<vmem>>, vector<16xf32>,
    %div3A_350 = arith.divf %get3A_345, %get3A_349 : vector<16xf32>
    %swap3A_351 = arith.constant 2 : i32
    %swap3A_352 = arith.index_cast %swap3A_351 : i32 to index
    %swap3A_353 = arith.constant 64 : index
    %swap3A_354 = tpu.vector_load %arg12[%swap3A_352, %swap3A_353] {strides = array<i32>} : memref<3x128xf32, #tpu.memory_space<vmem>>, vector<16xf32>,
    tpu.vector_store %arg12[%swap3A_352, %swap3A_353], %div3A_350 {strides = array<i32>} : memref<3x128xf32, #tpu.memory_space<vmem>>, vector<16xf32>,
    %get3A_355 = arith.constant 2 : i32
    %get3A_356 = arith.index_cast %get3A_355 : i32 to index
    %get3A_357 = arith.constant 80 : index
    %get3A_358 = tpu.vector_load %arg14[%get3A_356, %get3A_357] {strides = array<i32>} : memref<3x128xf32, #tpu.memory_space<vmem>>, vector<16xf32>,
    %get3A_359 = arith.constant 2 : i32
    %get3A_360 = arith.index_cast %get3A_359 : i32 to index
    %get3A_361 = arith.constant 80 : index
    %get3A_362 = tpu.vector_load %arg13[%get3A_360, %get3A_361] {strides = array<i32>} : memref<3x128xf32, #tpu.memory_space<vmem>>, vector<16xf32>,
    %div3A_363 = arith.divf %get3A_358, %get3A_362 : vector<16xf32>
    %swap3A_364 = arith.constant 2 : i32
    %swap3A_365 = arith.index_cast %swap3A_364 : i32 to index
    %swap3A_366 = arith.constant 80 : index
    %swap3A_367 = tpu.vector_load %arg12[%swap3A_365, %swap3A_366] {strides = array<i32>} : memref<3x128xf32, #tpu.memory_space<vmem>>, vector<16xf32>,
    tpu.vector_store %arg12[%swap3A_365, %swap3A_366], %div3A_363 {strides = array<i32>} : memref<3x128xf32, #tpu.memory_space<vmem>>, vector<16xf32>,
    %get3A_368 = arith.constant 2 : i32
    %get3A_369 = arith.index_cast %get3A_368 : i32 to index
    %get3A_370 = arith.constant 96 : index
    %get3A_371 = tpu.vector_load %arg14[%get3A_369, %get3A_370] {strides = array<i32>} : memref<3x128xf32, #tpu.memory_space<vmem>>, vector<16xf32>,
    %get3A_372 = arith.constant 2 : i32
    %get3A_373 = arith.index_cast %get3A_372 : i32 to index
    %get3A_374 = arith.constant 96 : index
    %get3A_375 = tpu.vector_load %arg13[%get3A_373, %get3A_374] {strides = array<i32>} : memref<3x128xf32, #tpu.memory_space<vmem>>, vector<16xf32>,
    %div3A_376 = arith.divf %get3A_371, %get3A_375 : vector<16xf32>
    %swap3A_377 = arith.constant 2 : i32
    %swap3A_378 = arith.index_cast %swap3A_377 : i32 to index
    %swap3A_379 = arith.constant 96 : index
    %swap3A_380 = tpu.vector_load %arg12[%swap3A_378, %swap3A_379] {strides = array<i32>} : memref<3x128xf32, #tpu.memory_space<vmem>>, vector<16xf32>,
    tpu.vector_store %arg12[%swap3A_378, %swap3A_379], %div3A_376 {strides = array<i32>} : memref<3x128xf32, #tpu.memory_space<vmem>>, vector<16xf32>,
    %get3A_381 = arith.constant 2 : i32
    %get3A_382 = arith.index_cast %get3A_381 : i32 to index
    %get3A_383 = arith.constant 112 : index
    %get3A_384 = tpu.vector_load %arg14[%get3A_382, %get3A_383] {strides = array<i32>} : memref<3x128xf32, #tpu.memory_space<vmem>>, vector<16xf32>,
    %get3A_385 = arith.constant 2 : i32
    %get3A_386 = arith.index_cast %get3A_385 : i32 to index
    %get3A_387 = arith.constant 112 : index
    %get3A_388 = tpu.vector_load %arg13[%get3A_386, %get3A_387] {strides = array<i32>} : memref<3x128xf32, #tpu.memory_space<vmem>>, vector<16xf32>,
    %div3A_389 = arith.divf %get3A_384, %get3A_388 : vector<16xf32>
    %swap3A_390 = arith.constant 2 : i32
    %swap3A_391 = arith.index_cast %swap3A_390 : i32 to index
    %swap3A_392 = arith.constant 112 : index
    %swap3A_393 = tpu.vector_load %arg12[%swap3A_391, %swap3A_392] {strides = array<i32>} : memref<3x128xf32, #tpu.memory_space<vmem>>, vector<16xf32>,
    tpu.vector_store %arg12[%swap3A_391, %swap3A_392], %div3A_389 {strides = array<i32>} : memref<3x128xf32, #tpu.memory_space<vmem>>, vector<16xf32>,
    "tpu.region"() ({
      %run_scoped3A = tpu.sem_alloc : memref<!tpu.dma_semaphore, #tpu.memory_space<semaphore_mem>>
      %dma_start3A_411 = arith.constant 0 : i32
      %dma_start3A_412 = tpu.memref_slice %arg20[%mul3A_83, %dma_start3A_411] : memref<48x128xf32, #tpu.memory_space<vmem_shared>> -> memref<3x128xf32, #tpu.memory_space<vmem_shared>>
      %dma_start3A_413 = arith.constant 0 : i32
      %dma_start3A_414 = tpu.memref_slice %arg20[%mul3A_83, %dma_start3A_413] : memref<48x128xf32, #tpu.memory_space<vmem_shared>> -> memref<3x128xf32, #tpu.memory_space<vmem_shared>>
      tpu.enqueue_dma source(%arg12 : memref<3x128xf32, #tpu.memory_space<vmem>>) target(%dma_start3A_414 : memref<3x128xf32, #tpu.memory_space<vmem_shared>>) target_semaphore(%run_scoped3A : memref<!tpu.dma_semaphore, #tpu.memory_space<semaphore_mem>>)
      %dma_wait3A_415 = arith.constant 0 : i32
      %dma_wait3A_416 = tpu.memref_slice %arg20[%mul3A_83, %dma_wait3A_415] : memref<48x128xf32, #tpu.memory_space<vmem_shared>> -> memref<3x128xf32, #tpu.memory_space<vmem_shared>>
      %dma_wait3A_417 = arith.constant 0 : i32
      %dma_wait3A_418 = tpu.memref_slice %arg20[%mul3A_83, %dma_wait3A_417] : memref<48x128xf32, #tpu.memory_space<vmem_shared>> -> memref<3x128xf32, #tpu.memory_space<vmem_shared>>
      tpu.wait_dma2 semaphore(%run_scoped3A : memref<!tpu.dma_semaphore, #tpu.memory_space<semaphore_mem>>) src(%arg12 : memref<3x128xf32, #tpu.memory_space<vmem>>) dst(%dma_wait3A_418 : memref<3x128xf32, #tpu.memory_space<vmem_shared>>)
      tpu.yield
    }) : () -> ()
    "tpu.trace_stop"() : () -> ()
    %barrier3A_394 = arith.constant 0 : index
    tpu.barrier barrier_id(%barrier3A_394)
    "tpu.trace_start"() <{level = 10 : i32, message = "ratio_back"}> : () -> ()
    "tpu.region"() ({
      %run_scoped3A = tpu.sem_alloc : memref<!tpu.dma_semaphore, #tpu.memory_space<semaphore_mem>>
      tpu.enqueue_dma source(%arg20 : memref<48x128xf32, #tpu.memory_space<vmem_shared>>) target(%arg15 : memref<48x128xf32, #tpu.memory_space<vmem>>) target_semaphore(%run_scoped3A : memref<!tpu.dma_semaphore, #tpu.memory_space<semaphore_mem>>)
      tpu.wait_dma2 semaphore(%run_scoped3A : memref<!tpu.dma_semaphore, #tpu.memory_space<semaphore_mem>>) src(%arg20 : memref<48x128xf32, #tpu.memory_space<vmem_shared>>) dst(%arg15 : memref<48x128xf32, #tpu.memory_space<vmem>>)
      tpu.yield
    }) : () -> ()
    %while3A_395 = arith.constant 0 : i32
    %while3A_396 = arith.constant 0 : i32
    "tpu.trace_stop"() : () -> ()
    "tpu.trace_start"() <{level = 10 : i32, message = "out_loop"}> : () -> ()
    %while3A_397 = arith.subi %select_n3A_68, %while3A_396 : i32
    %while3A_398 = arith.addi %while3A_396, %while3A_397 : i32
    %while3A_399 = arith.constant 1 : i32
    %while3A_400 = arith.divsi %while3A_397, %while3A_399 : i32
    %while3A_401 = arith.muli %while3A_400, %while3A_399 : i32
    %while3A_402 = arith.addi %while3A_396, %while3A_401 : i32
    %while3A_403 = arith.constant 1 : i32
    scf.for %while3A_411 = %while3A_396 to %while3A_402 step %while3A_403  : i32 {
      %mul3A_412 = arith.constant 64 : i32
      %mul3A_413 = arith.muli %while3A_411, %mul3A_412 : i32
      %add3A_414 = arith.constant 0 : i32
      %add3A_415 = arith.addi %mul3A_413, %add3A_414 : i32
      %get3A_416 = arith.index_cast %add3A_415 : i32 to index
      %get3A_417 = tpu.vector_load %arg6[%get3A_416] {strides = array<i32>} : memref<6288xi32, #tpu.memory_space<vmem>>, vector<16xi32>,
      %shift_right_logical3A = arith.constant 7 : i32
      %shift_right_logical3A_418 = vector.broadcast %shift_right_logical3A : i32 to vector<16xi32>
      %shift_right_logical3A_419 = arith.shrui %get3A_417, %shift_right_logical3A_418 : vector<16xi32>
      %and3A = arith.constant 127 : i32
      %and3A_420 = vector.broadcast %and3A : i32 to vector<16xi32>
      %and3A_421 = arith.andi %get3A_417, %and3A_420 : vector<16xi32>
      %gather3A = tpu.vector_load_idx %arg15[%shift_right_logical3A_419, %and3A_421] : memref<48x128xf32, #tpu.memory_space<vmem>>[vector<16xi32>, vector<16xi32>], vector<16xf32>,
      %get3A_422 = arith.index_cast %add3A_415 : i32 to index
      %get3A_423 = tpu.vector_load %arg9[%get3A_422] {strides = array<i32>} : memref<6272xf32, #tpu.memory_space<vmem>>, vector<16xf32>,
      %get3A_424 = arith.index_cast %add3A_415 : i32 to index
      %get3A_425 = tpu.vector_load %arg7[%get3A_424] {strides = array<i32>} : memref<6272xf32, #tpu.memory_space<vmem>>, vector<16xf32>,
      %sub3A = arith.subf %gather3A, %get3A_425 : vector<16xf32>
      %mul3A_426 = arith.mulf %get3A_423, %sub3A : vector<16xf32>
      %swap3A_427 = arith.index_cast %add3A_415 : i32 to index
      %swap3A_428 = tpu.vector_load %arg17[%swap3A_427] {strides = array<i32>} : memref<6272xf32, #tpu.memory_space<vmem>>, vector<16xf32>,
      tpu.vector_store %arg17[%swap3A_427], %mul3A_426 {strides = array<i32>} : memref<6272xf32, #tpu.memory_space<vmem>>, vector<16xf32>,
      %mul3A_429 = arith.constant 64 : i32
      %mul3A_430 = arith.muli %while3A_411, %mul3A_429 : i32
      %add3A_431 = arith.constant 16 : i32
      %add3A_432 = arith.addi %mul3A_430, %add3A_431 : i32
      %get3A_433 = arith.index_cast %add3A_432 : i32 to index
      %get3A_434 = tpu.vector_load %arg6[%get3A_433] {strides = array<i32>} : memref<6288xi32, #tpu.memory_space<vmem>>, vector<16xi32>,
      %shift_right_logical3A_435 = arith.constant 7 : i32
      %shift_right_logical3A_436 = vector.broadcast %shift_right_logical3A_435 : i32 to vector<16xi32>
      %shift_right_logical3A_437 = arith.shrui %get3A_434, %shift_right_logical3A_436 : vector<16xi32>
      %and3A_438 = arith.constant 127 : i32
      %and3A_439 = vector.broadcast %and3A_438 : i32 to vector<16xi32>
      %and3A_440 = arith.andi %get3A_434, %and3A_439 : vector<16xi32>
      %gather3A_441 = tpu.vector_load_idx %arg15[%shift_right_logical3A_437, %and3A_440] : memref<48x128xf32, #tpu.memory_space<vmem>>[vector<16xi32>, vector<16xi32>], vector<16xf32>,
      %get3A_442 = arith.index_cast %add3A_432 : i32 to index
      %get3A_443 = tpu.vector_load %arg9[%get3A_442] {strides = array<i32>} : memref<6272xf32, #tpu.memory_space<vmem>>, vector<16xf32>,
      %get3A_444 = arith.index_cast %add3A_432 : i32 to index
      %get3A_445 = tpu.vector_load %arg7[%get3A_444] {strides = array<i32>} : memref<6272xf32, #tpu.memory_space<vmem>>, vector<16xf32>,
      %sub3A_446 = arith.subf %gather3A_441, %get3A_445 : vector<16xf32>
      %mul3A_447 = arith.mulf %get3A_443, %sub3A_446 : vector<16xf32>
      %swap3A_448 = arith.index_cast %add3A_432 : i32 to index
      %swap3A_449 = tpu.vector_load %arg17[%swap3A_448] {strides = array<i32>} : memref<6272xf32, #tpu.memory_space<vmem>>, vector<16xf32>,
      tpu.vector_store %arg17[%swap3A_448], %mul3A_447 {strides = array<i32>} : memref<6272xf32, #tpu.memory_space<vmem>>, vector<16xf32>,
      %mul3A_450 = arith.constant 64 : i32
      %mul3A_451 = arith.muli %while3A_411, %mul3A_450 : i32
      %add3A_452 = arith.constant 32 : i32
      %add3A_453 = arith.addi %mul3A_451, %add3A_452 : i32
      %get3A_454 = arith.index_cast %add3A_453 : i32 to index
      %get3A_455 = tpu.vector_load %arg6[%get3A_454] {strides = array<i32>} : memref<6288xi32, #tpu.memory_space<vmem>>, vector<16xi32>,
      %shift_right_logical3A_456 = arith.constant 7 : i32
      %shift_right_logical3A_457 = vector.broadcast %shift_right_logical3A_456 : i32 to vector<16xi32>
      %shift_right_logical3A_458 = arith.shrui %get3A_455, %shift_right_logical3A_457 : vector<16xi32>
      %and3A_459 = arith.constant 127 : i32
      %and3A_460 = vector.broadcast %and3A_459 : i32 to vector<16xi32>
      %and3A_461 = arith.andi %get3A_455, %and3A_460 : vector<16xi32>
      %gather3A_462 = tpu.vector_load_idx %arg15[%shift_right_logical3A_458, %and3A_461] : memref<48x128xf32, #tpu.memory_space<vmem>>[vector<16xi32>, vector<16xi32>], vector<16xf32>,
      %get3A_463 = arith.index_cast %add3A_453 : i32 to index
      %get3A_464 = tpu.vector_load %arg9[%get3A_463] {strides = array<i32>} : memref<6272xf32, #tpu.memory_space<vmem>>, vector<16xf32>,
      %get3A_465 = arith.index_cast %add3A_453 : i32 to index
      %get3A_466 = tpu.vector_load %arg7[%get3A_465] {strides = array<i32>} : memref<6272xf32, #tpu.memory_space<vmem>>, vector<16xf32>,
      %sub3A_467 = arith.subf %gather3A_462, %get3A_466 : vector<16xf32>
      %mul3A_468 = arith.mulf %get3A_464, %sub3A_467 : vector<16xf32>
      %swap3A_469 = arith.index_cast %add3A_453 : i32 to index
      %swap3A_470 = tpu.vector_load %arg17[%swap3A_469] {strides = array<i32>} : memref<6272xf32, #tpu.memory_space<vmem>>, vector<16xf32>,
      tpu.vector_store %arg17[%swap3A_469], %mul3A_468 {strides = array<i32>} : memref<6272xf32, #tpu.memory_space<vmem>>, vector<16xf32>,
      %mul3A_471 = arith.constant 64 : i32
      %mul3A_472 = arith.muli %while3A_411, %mul3A_471 : i32
      %add3A_473 = arith.constant 48 : i32
      %add3A_474 = arith.addi %mul3A_472, %add3A_473 : i32
      %get3A_475 = arith.index_cast %add3A_474 : i32 to index
      %get3A_476 = tpu.vector_load %arg6[%get3A_475] {strides = array<i32>} : memref<6288xi32, #tpu.memory_space<vmem>>, vector<16xi32>,
      %shift_right_logical3A_477 = arith.constant 7 : i32
      %shift_right_logical3A_478 = vector.broadcast %shift_right_logical3A_477 : i32 to vector<16xi32>
      %shift_right_logical3A_479 = arith.shrui %get3A_476, %shift_right_logical3A_478 : vector<16xi32>
      %and3A_480 = arith.constant 127 : i32
      %and3A_481 = vector.broadcast %and3A_480 : i32 to vector<16xi32>
      %and3A_482 = arith.andi %get3A_476, %and3A_481 : vector<16xi32>
      %gather3A_483 = tpu.vector_load_idx %arg15[%shift_right_logical3A_479, %and3A_482] : memref<48x128xf32, #tpu.memory_space<vmem>>[vector<16xi32>, vector<16xi32>], vector<16xf32>,
      %get3A_484 = arith.index_cast %add3A_474 : i32 to index
      %get3A_485 = tpu.vector_load %arg9[%get3A_484] {strides = array<i32>} : memref<6272xf32, #tpu.memory_space<vmem>>, vector<16xf32>,
      %get3A_486 = arith.index_cast %add3A_474 : i32 to index
      %get3A_487 = tpu.vector_load %arg7[%get3A_486] {strides = array<i32>} : memref<6272xf32, #tpu.memory_space<vmem>>, vector<16xf32>,
      %sub3A_488 = arith.subf %gather3A_483, %get3A_487 : vector<16xf32>
      %mul3A_489 = arith.mulf %get3A_485, %sub3A_488 : vector<16xf32>
      %swap3A_490 = arith.index_cast %add3A_474 : i32 to index
      %swap3A_491 = tpu.vector_load %arg17[%swap3A_490] {strides = array<i32>} : memref<6272xf32, #tpu.memory_space<vmem>>, vector<16xf32>,
      tpu.vector_store %arg17[%swap3A_490], %mul3A_489 {strides = array<i32>} : memref<6272xf32, #tpu.memory_space<vmem>>, vector<16xf32>,
    }
    %while3A_404 = arith.constant 1 : i32
    scf.for %while3A_411 = %while3A_402 to %while3A_398 step %while3A_404  : i32 {
      %mul3A_412 = arith.constant 64 : i32
      %mul3A_413 = arith.muli %while3A_411, %mul3A_412 : i32
      %add3A_414 = arith.constant 0 : i32
      %add3A_415 = arith.addi %mul3A_413, %add3A_414 : i32
      %get3A_416 = arith.index_cast %add3A_415 : i32 to index
      %get3A_417 = tpu.vector_load %arg6[%get3A_416] {strides = array<i32>} : memref<6288xi32, #tpu.memory_space<vmem>>, vector<16xi32>,
      %shift_right_logical3A = arith.constant 7 : i32
      %shift_right_logical3A_418 = vector.broadcast %shift_right_logical3A : i32 to vector<16xi32>
      %shift_right_logical3A_419 = arith.shrui %get3A_417, %shift_right_logical3A_418 : vector<16xi32>
      %and3A = arith.constant 127 : i32
      %and3A_420 = vector.broadcast %and3A : i32 to vector<16xi32>
      %and3A_421 = arith.andi %get3A_417, %and3A_420 : vector<16xi32>
      %gather3A = tpu.vector_load_idx %arg15[%shift_right_logical3A_419, %and3A_421] : memref<48x128xf32, #tpu.memory_space<vmem>>[vector<16xi32>, vector<16xi32>], vector<16xf32>,
      %get3A_422 = arith.index_cast %add3A_415 : i32 to index
      %get3A_423 = tpu.vector_load %arg9[%get3A_422] {strides = array<i32>} : memref<6272xf32, #tpu.memory_space<vmem>>, vector<16xf32>,
      %get3A_424 = arith.index_cast %add3A_415 : i32 to index
      %get3A_425 = tpu.vector_load %arg7[%get3A_424] {strides = array<i32>} : memref<6272xf32, #tpu.memory_space<vmem>>, vector<16xf32>,
      %sub3A = arith.subf %gather3A, %get3A_425 : vector<16xf32>
      %mul3A_426 = arith.mulf %get3A_423, %sub3A : vector<16xf32>
      %swap3A_427 = arith.index_cast %add3A_415 : i32 to index
      %swap3A_428 = tpu.vector_load %arg17[%swap3A_427] {strides = array<i32>} : memref<6272xf32, #tpu.memory_space<vmem>>, vector<16xf32>,
      tpu.vector_store %arg17[%swap3A_427], %mul3A_426 {strides = array<i32>} : memref<6272xf32, #tpu.memory_space<vmem>>, vector<16xf32>,
      %mul3A_429 = arith.constant 64 : i32
      %mul3A_430 = arith.muli %while3A_411, %mul3A_429 : i32
      %add3A_431 = arith.constant 16 : i32
      %add3A_432 = arith.addi %mul3A_430, %add3A_431 : i32
      %get3A_433 = arith.index_cast %add3A_432 : i32 to index
      %get3A_434 = tpu.vector_load %arg6[%get3A_433] {strides = array<i32>} : memref<6288xi32, #tpu.memory_space<vmem>>, vector<16xi32>,
      %shift_right_logical3A_435 = arith.constant 7 : i32
      %shift_right_logical3A_436 = vector.broadcast %shift_right_logical3A_435 : i32 to vector<16xi32>
      %shift_right_logical3A_437 = arith.shrui %get3A_434, %shift_right_logical3A_436 : vector<16xi32>
      %and3A_438 = arith.constant 127 : i32
      %and3A_439 = vector.broadcast %and3A_438 : i32 to vector<16xi32>
      %and3A_440 = arith.andi %get3A_434, %and3A_439 : vector<16xi32>
      %gather3A_441 = tpu.vector_load_idx %arg15[%shift_right_logical3A_437, %and3A_440] : memref<48x128xf32, #tpu.memory_space<vmem>>[vector<16xi32>, vector<16xi32>], vector<16xf32>,
      %get3A_442 = arith.index_cast %add3A_432 : i32 to index
      %get3A_443 = tpu.vector_load %arg9[%get3A_442] {strides = array<i32>} : memref<6272xf32, #tpu.memory_space<vmem>>, vector<16xf32>,
      %get3A_444 = arith.index_cast %add3A_432 : i32 to index
      %get3A_445 = tpu.vector_load %arg7[%get3A_444] {strides = array<i32>} : memref<6272xf32, #tpu.memory_space<vmem>>, vector<16xf32>,
      %sub3A_446 = arith.subf %gather3A_441, %get3A_445 : vector<16xf32>
      %mul3A_447 = arith.mulf %get3A_443, %sub3A_446 : vector<16xf32>
      %swap3A_448 = arith.index_cast %add3A_432 : i32 to index
      %swap3A_449 = tpu.vector_load %arg17[%swap3A_448] {strides = array<i32>} : memref<6272xf32, #tpu.memory_space<vmem>>, vector<16xf32>,
      tpu.vector_store %arg17[%swap3A_448], %mul3A_447 {strides = array<i32>} : memref<6272xf32, #tpu.memory_space<vmem>>, vector<16xf32>,
      %mul3A_450 = arith.constant 64 : i32
      %mul3A_451 = arith.muli %while3A_411, %mul3A_450 : i32
      %add3A_452 = arith.constant 32 : i32
      %add3A_453 = arith.addi %mul3A_451, %add3A_452 : i32
      %get3A_454 = arith.index_cast %add3A_453 : i32 to index
      %get3A_455 = tpu.vector_load %arg6[%get3A_454] {strides = array<i32>} : memref<6288xi32, #tpu.memory_space<vmem>>, vector<16xi32>,
      %shift_right_logical3A_456 = arith.constant 7 : i32
      %shift_right_logical3A_457 = vector.broadcast %shift_right_logical3A_456 : i32 to vector<16xi32>
      %shift_right_logical3A_458 = arith.shrui %get3A_455, %shift_right_logical3A_457 : vector<16xi32>
      %and3A_459 = arith.constant 127 : i32
      %and3A_460 = vector.broadcast %and3A_459 : i32 to vector<16xi32>
      %and3A_461 = arith.andi %get3A_455, %and3A_460 : vector<16xi32>
      %gather3A_462 = tpu.vector_load_idx %arg15[%shift_right_logical3A_458, %and3A_461] : memref<48x128xf32, #tpu.memory_space<vmem>>[vector<16xi32>, vector<16xi32>], vector<16xf32>,
      %get3A_463 = arith.index_cast %add3A_453 : i32 to index
      %get3A_464 = tpu.vector_load %arg9[%get3A_463] {strides = array<i32>} : memref<6272xf32, #tpu.memory_space<vmem>>, vector<16xf32>,
      %get3A_465 = arith.index_cast %add3A_453 : i32 to index
      %get3A_466 = tpu.vector_load %arg7[%get3A_465] {strides = array<i32>} : memref<6272xf32, #tpu.memory_space<vmem>>, vector<16xf32>,
      %sub3A_467 = arith.subf %gather3A_462, %get3A_466 : vector<16xf32>
      %mul3A_468 = arith.mulf %get3A_464, %sub3A_467 : vector<16xf32>
      %swap3A_469 = arith.index_cast %add3A_453 : i32 to index
      %swap3A_470 = tpu.vector_load %arg17[%swap3A_469] {strides = array<i32>} : memref<6272xf32, #tpu.memory_space<vmem>>, vector<16xf32>,
      tpu.vector_store %arg17[%swap3A_469], %mul3A_468 {strides = array<i32>} : memref<6272xf32, #tpu.memory_space<vmem>>, vector<16xf32>,
      %mul3A_471 = arith.constant 64 : i32
      %mul3A_472 = arith.muli %while3A_411, %mul3A_471 : i32
      %add3A_473 = arith.constant 48 : i32
      %add3A_474 = arith.addi %mul3A_472, %add3A_473 : i32
      %get3A_475 = arith.index_cast %add3A_474 : i32 to index
      %get3A_476 = tpu.vector_load %arg6[%get3A_475] {strides = array<i32>} : memref<6288xi32, #tpu.memory_space<vmem>>, vector<16xi32>,
      %shift_right_logical3A_477 = arith.constant 7 : i32
      %shift_right_logical3A_478 = vector.broadcast %shift_right_logical3A_477 : i32 to vector<16xi32>
      %shift_right_logical3A_479 = arith.shrui %get3A_476, %shift_right_logical3A_478 : vector<16xi32>
      %and3A_480 = arith.constant 127 : i32
      %and3A_481 = vector.broadcast %and3A_480 : i32 to vector<16xi32>
      %and3A_482 = arith.andi %get3A_476, %and3A_481 : vector<16xi32>
      %gather3A_483 = tpu.vector_load_idx %arg15[%shift_right_logical3A_479, %and3A_482] : memref<48x128xf32, #tpu.memory_space<vmem>>[vector<16xi32>, vector<16xi32>], vector<16xf32>,
      %get3A_484 = arith.index_cast %add3A_474 : i32 to index
      %get3A_485 = tpu.vector_load %arg9[%get3A_484] {strides = array<i32>} : memref<6272xf32, #tpu.memory_space<vmem>>, vector<16xf32>,
      %get3A_486 = arith.index_cast %add3A_474 : i32 to index
      %get3A_487 = tpu.vector_load %arg7[%get3A_486] {strides = array<i32>} : memref<6272xf32, #tpu.memory_space<vmem>>, vector<16xf32>,
      %sub3A_488 = arith.subf %gather3A_483, %get3A_487 : vector<16xf32>
      %mul3A_489 = arith.mulf %get3A_485, %sub3A_488 : vector<16xf32>
      %swap3A_490 = arith.index_cast %add3A_474 : i32 to index
      %swap3A_491 = tpu.vector_load %arg17[%swap3A_490] {strides = array<i32>} : memref<6272xf32, #tpu.memory_space<vmem>>, vector<16xf32>,
      tpu.vector_store %arg17[%swap3A_490], %mul3A_489 {strides = array<i32>} : memref<6272xf32, #tpu.memory_space<vmem>>, vector<16xf32>,
    }
    %convert_element_type3A_405 = arith.extui %eq3A_1 : i1 to i32
    %cond3A_406 = arith.constant 0 : i32
    %cond3A_407 = arith.cmpi ne, %convert_element_type3A_405, %cond3A_406 : i32
    scf.if %cond3A_407 {
      %get3A_411 = arith.constant 5888 : index
      %get3A_412 = tpu.vector_load %arg6[%get3A_411] {strides = array<i32>} : memref<6288xi32, #tpu.memory_space<vmem>>, vector<16xi32>,
      %shift_right_logical3A = arith.constant 7 : i32
      %shift_right_logical3A_413 = vector.broadcast %shift_right_logical3A : i32 to vector<16xi32>
      %shift_right_logical3A_414 = arith.shrui %get3A_412, %shift_right_logical3A_413 : vector<16xi32>
      %and3A = arith.constant 127 : i32
      %and3A_415 = vector.broadcast %and3A : i32 to vector<16xi32>
      %and3A_416 = arith.andi %get3A_412, %and3A_415 : vector<16xi32>
      %gather3A = tpu.vector_load_idx %arg15[%shift_right_logical3A_414, %and3A_416] : memref<48x128xf32, #tpu.memory_space<vmem>>[vector<16xi32>, vector<16xi32>], vector<16xf32>,
      %get3A_417 = arith.constant 5888 : index
      %get3A_418 = tpu.vector_load %arg9[%get3A_417] {strides = array<i32>} : memref<6272xf32, #tpu.memory_space<vmem>>, vector<16xf32>,
      %get3A_419 = arith.constant 5888 : index
      %get3A_420 = tpu.vector_load %arg7[%get3A_419] {strides = array<i32>} : memref<6272xf32, #tpu.memory_space<vmem>>, vector<16xf32>,
      %sub3A = arith.subf %gather3A, %get3A_420 : vector<16xf32>
      %mul3A_421 = arith.mulf %get3A_418, %sub3A : vector<16xf32>
      %swap3A_422 = arith.constant 5888 : index
      %swap3A_423 = tpu.vector_load %arg17[%swap3A_422] {strides = array<i32>} : memref<6272xf32, #tpu.memory_space<vmem>>, vector<16xf32>,
      tpu.vector_store %arg17[%swap3A_422], %mul3A_421 {strides = array<i32>} : memref<6272xf32, #tpu.memory_space<vmem>>, vector<16xf32>,
      %get3A_424 = arith.constant 5904 : index
      %get3A_425 = tpu.vector_load %arg6[%get3A_424] {strides = array<i32>} : memref<6288xi32, #tpu.memory_space<vmem>>, vector<16xi32>,
      %shift_right_logical3A_426 = arith.constant 7 : i32
      %shift_right_logical3A_427 = vector.broadcast %shift_right_logical3A_426 : i32 to vector<16xi32>
      %shift_right_logical3A_428 = arith.shrui %get3A_425, %shift_right_logical3A_427 : vector<16xi32>
      %and3A_429 = arith.constant 127 : i32
      %and3A_430 = vector.broadcast %and3A_429 : i32 to vector<16xi32>
      %and3A_431 = arith.andi %get3A_425, %and3A_430 : vector<16xi32>
      %gather3A_432 = tpu.vector_load_idx %arg15[%shift_right_logical3A_428, %and3A_431] : memref<48x128xf32, #tpu.memory_space<vmem>>[vector<16xi32>, vector<16xi32>], vector<16xf32>,
      %get3A_433 = arith.constant 5904 : index
      %get3A_434 = tpu.vector_load %arg9[%get3A_433] {strides = array<i32>} : memref<6272xf32, #tpu.memory_space<vmem>>, vector<16xf32>,
      %get3A_435 = arith.constant 5904 : index
      %get3A_436 = tpu.vector_load %arg7[%get3A_435] {strides = array<i32>} : memref<6272xf32, #tpu.memory_space<vmem>>, vector<16xf32>,
      %sub3A_437 = arith.subf %gather3A_432, %get3A_436 : vector<16xf32>
      %mul3A_438 = arith.mulf %get3A_434, %sub3A_437 : vector<16xf32>
      %swap3A_439 = arith.constant 5904 : index
      %swap3A_440 = tpu.vector_load %arg17[%swap3A_439] {strides = array<i32>} : memref<6272xf32, #tpu.memory_space<vmem>>, vector<16xf32>,
      tpu.vector_store %arg17[%swap3A_439], %mul3A_438 {strides = array<i32>} : memref<6272xf32, #tpu.memory_space<vmem>>, vector<16xf32>,
    } else {
    }
    %jit3A_408 = arith.constant 5920 : i32
    %jit3A_409 = arith.constant 6272 : i32
    "tpu.trace_stop"() : () -> ()
    "tpu.trace_start"() <{level = 10 : i32, message = "out_write"}> : () -> ()
    %select_n3A_410 = arith.select %eq3A_1, %jit3A_408, %jit3A_409 : i32
    "tpu.region"() ({
      %run_scoped3A = tpu.sem_alloc : memref<!tpu.dma_semaphore, #tpu.memory_space<semaphore_mem>>
      %dma_start3A_411 = arith.constant 0 : i32
      %dma_start3A_412 = tpu.memref_slice %arg17[%dma_start3A_411] <%select_n3A_410> : memref<6272xf32, #tpu.memory_space<vmem>> -> memref<?xf32, #tpu.memory_space<vmem>>
      %dma_start3A_413 = tpu.memref_slice %arg5[%mul3A_0] <%select_n3A_410> : memref<100000xf32, #tpu.memory_space<hbm>> -> memref<?xf32, #tpu.memory_space<hbm>>
      %dma_start3A_414 = tpu.memref_slice %arg5[%mul3A_0] <%select_n3A_410> : memref<100000xf32, #tpu.memory_space<hbm>> -> memref<?xf32, #tpu.memory_space<hbm>>
      %dma_start3A_415 = arith.constant 0 : i32
      %dma_start3A_416 = tpu.memref_slice %arg17[%dma_start3A_415] <%select_n3A_410> : memref<6272xf32, #tpu.memory_space<vmem>> -> memref<?xf32, #tpu.memory_space<vmem>>
      tpu.enqueue_dma source(%dma_start3A_416 : memref<?xf32, #tpu.memory_space<vmem>>) target(%dma_start3A_414 : memref<?xf32, #tpu.memory_space<hbm>>) target_semaphore(%run_scoped3A : memref<!tpu.dma_semaphore, #tpu.memory_space<semaphore_mem>>)
      %dma_wait3A_417 = arith.constant 0 : i32
      %dma_wait3A_418 = tpu.memref_slice %arg17[%dma_wait3A_417] <%select_n3A_410> : memref<6272xf32, #tpu.memory_space<vmem>> -> memref<?xf32, #tpu.memory_space<vmem>>
      %dma_wait3A_419 = tpu.memref_slice %arg5[%mul3A_0] <%select_n3A_410> : memref<100000xf32, #tpu.memory_space<hbm>> -> memref<?xf32, #tpu.memory_space<hbm>>
      %dma_wait3A_420 = tpu.memref_slice %arg5[%mul3A_0] <%select_n3A_410> : memref<100000xf32, #tpu.memory_space<hbm>> -> memref<?xf32, #tpu.memory_space<hbm>>
      %dma_wait3A_421 = arith.constant 0 : i32
      %dma_wait3A_422 = tpu.memref_slice %arg17[%dma_wait3A_421] <%select_n3A_410> : memref<6272xf32, #tpu.memory_space<vmem>> -> memref<?xf32, #tpu.memory_space<vmem>>
      tpu.wait_dma2 semaphore(%run_scoped3A : memref<!tpu.dma_semaphore, #tpu.memory_space<semaphore_mem>>) src(%dma_wait3A_422 : memref<?xf32, #tpu.memory_space<vmem>>) dst(%dma_wait3A_420 : memref<?xf32, #tpu.memory_space<hbm>>)
      tpu.yield
    }) : () -> ()
    "tpu.trace_stop"() : () -> ()
    return
  }
}

</mosaic_0001>

<sc_bundles>
// kernel: kernel.3.cloned.1.call-start
scs
__scs_entry_jumppad:
0x0: {  	(pc) =	sbr.rel $0x88, $3  }
0x1: {  	(tag) =	ssettag $0x0;
	lr =	simm.s32 $0x1  }
0x2: {  	[smem:$0x3F9E] =	sst lr;
	_ =	strace $0xD0000000  }
0x3: {  	_ = 	snop  }
0x4: {  	_ = 	snop  }
0x5: {  	_ = 	snop  }
0x6: {  	_ = 	snop  }
0x7: {  	_ = 	snop  }
__scs_overlays_trampoline_lowered:
0x8: {  	[smem:$0x3FAD] =	sst s0  }
0x9: {  	[smem:$0x3FAE] =	sst s1  }
0xa: {  	[smem:$0x3FAF] =	sst s2  }
0xb: {  	[smem:$0x3FB0] =	sst s3  }
0xc: {  	[smem:$0x3FB1] =	sst s4  }
0xd: {  	[smem:$0x3FB2] =	sst s5  }
0xe: {  	[smem:$0x3FB3] =	sst s6  }
0xf: {  	[smem:$0x3FB4] =	sst s7  }
0x10: {  	[smem:$0x3FB5] =	sst s8  }
0x11: {  	[smem:$0x3FB6] =	sst s9;
	s0 =	simm.s32 @!p0 $0x0  }
0x12: {  	s1 =	sld [smem:$0x3F9C];
	s0 =	simm.s32 @p0 $0x1  }
0x13: {  	[smem:$0x3FB7] =	sst s0;
	s0 =	simm.s32 @!p1 $0x0  }
0x14: {  	s2 =	sld [smem:$0x3F9B];
	s0 =	simm.s32 @p1 $0x1  }
0x15: {  	[smem:$0x3FB8] =	sst s0;
	s0 =	simm.s32 @!p2 $0x0  }
0x16: {  	s3 =	sld [smem:$0x3FDB];
	s0 =	simm.s32 @p2 $0x1  }
0x17: {  	s4 =	simm.s32 $0x1BF5;
	[smem:$0x3FBA] =	sst s0  }
0x18: {  	s0 =	sld [smem:$0x3F9D];
	_ =	swait.ge [sflag:s4], $0x0  }
0x19: {  	s7 =	sld [smem:$0x3F9E]  }
0x1a: {  	s8 =	sadd.s32 $0xFFFFE003, lr  }
0x1b: {  	s9 =	sadd.s32 $0xFFFFFEF7, lr;
	s5 =	simm.s32 $0xFFFFFFFF;
	p2 =	slt.u32 s8, $0xFFFFF086  }
0x1c: {  	p1 =	slt.u32 s9, $0xF7A;
	s5 =	simm.s32 @!p2 $0x0  }
0x1d: {  	s5 =	simm.s32 @p1 $0x1;
	p0 =	seq.s32 s7, s2  }
0x1e: {  	s7 =	smul.u32 @!p0 $0xF7A, s2;
	p2 =	seq.s32 @!p0 s5, $0x0  }
0x1f: {  	s9 =	smul.u32 $0xF7A, s1;
	s8 =	simm.s32 @!p0 $0x1BF5;
	p2 =	por !p2, p0  }
0x20: {  	[sflag:s8] =	ssyncset.s32 @!p0 $0xFFFFF086;
	s6 =	sadd.s32 @!p0 s3, s7;
	s7 =	simm.s32 @!p0 $0x108  }
0x21: {  	s3 =	sadd.s32 s3, s9;
	s6 =	sadd.s32 @!p0 $0x88, s6;
	s7 =	simm.s32 @p2 $0x1082  }
0x22: {  	[simem:s7], [sflag:s8] =	dma.local @!p0 [hbm:s6], $0xF7A  }
0x23: {  	s9 =	sor.u32 $0xD0000000, s2;
	s6 =	simm.s32 $0x108;
	_ =	swait.ge @!p0 [sflag:s8], $0x0  }
0x24: {  	s3 =	sadd.s32 $0x88, s3;
	s6 =	simm.s32 @!p1 $0x1082;
	[sflag:s4] =	ssyncset.s32 $0xFFFFF086  }
0x25: {  	[simem:s6], [sflag:s4] =	dma.local [hbm:s3], $0xF7A  }
0x26: {  	[smem:$0x3F9E] =	sst s1;
	(tag) =	ssettag s2;
	_ =	strace s9  }
0x27: {  	s1 =	sld [smem:$0x3FAE]  }
0x28: {  	s2 =	sld [smem:$0x3FAF]  }
0x29: {  	s4 =	sld [smem:$0x3FB1]  }
0x2a: {  	p0 =	seq.s32 s5, $0x0;
	s5 =	sld [smem:$0x3FB2]  }
0x2b: {  	s6 =	sld [smem:$0x3FB3]  }
0x2c: {  	s7 =	sld [smem:$0x3FB4]  }
0x2d: {  	s3 =	simm.s32 $0x108;
	s8 =	sld [smem:$0x3FB5]  }
0x2e: {  	s3 =	simm.s32 @!p0 $0x1082;
	s9 =	sld [smem:$0x3FB6]  }
0x2f: {  	lr =	sadd.s32 s0, s3;
	s0 =	sld [smem:$0x3FAD]  }
0x30: {  	s3 =	sld [smem:$0x3FB0]  }
0x31: {  	[smem:$0x3FB9] =	sst s10  }
0x32: {  	s10 =	sld [smem:$0x3FB7];
	_ =	sdelay $0x3  }
0x33: {  	p0 =	seq.s32 s10, $0x1;
	s10 =	sld [smem:$0x3FB9];
	_ =	sdelay $0x3  }
0x34: {  	[smem:$0x3FB9] =	sst s10  }
0x35: {  	s10 =	sld [smem:$0x3FB8];
	_ =	sdelay $0x3  }
0x36: {  	p1 =	seq.s32 s10, $0x1;
	s10 =	sld [smem:$0x3FB9];
	_ =	sdelay $0x3  }
0x37: {  	[smem:$0x3FB9] =	sst s10  }
0x38: {  	s10 =	sld [smem:$0x3FBA]  }
0x39: {  	_ = 	snop;
	(pc) =	sbr.ind lr, $3  }
0x3a: {  	_ = 	snop  }
0x3b: {  	_ = 	snop  }
0x3c: {  	p2 =	seq.s32 s10, $0x1;
	s10 =	sld [smem:$0x3FB9]  }
0x3d: {  	_ =	shalt  }
0x3e: {  	_ =	shalt  }
0x3f: {  	_ =	shalt  }
0x40: {  	_ =	shalt  }
0x41: {  	_ =	shalt  }
0x42: {  	_ =	shalt  }
0x43: {  	_ =	shalt  }
0x44: {  	_ =	shalt  }
0x45: {  	_ =	shalt  }
0x46: {  	_ =	shalt  }
0x47: {  	_ =	shalt  }
0x48: {  	_ =	shalt  }
0x49: {  	_ =	shalt  }
0x4a: {  	_ =	shalt  }
0x4b: {  	_ =	shalt  }
0x4c: {  	_ =	shalt  }
0x4d: {  	_ =	shalt  }
0x4e: {  	_ =	shalt  }
0x4f: {  	_ =	shalt  }
0x50: {  	_ =	shalt  }
0x51: {  	_ =	shalt  }
0x52: {  	_ =	shalt  }
0x53: {  	_ =	shalt  }
0x54: {  	_ =	shalt  }
0x55: {  	_ =	shalt  }
0x56: {  	_ =	shalt  }
0x57: {  	_ =	shalt  }
0x58: {  	_ =	shalt  }
0x59: {  	_ =	shalt  }
0x5a: {  	_ =	shalt  }
0x5b: {  	_ =	shalt  }
0x5c: {  	_ =	shalt  }
0x5d: {  	_ =	shalt  }
0x5e: {  	_ =	shalt  }
0x5f: {  	_ =	shalt  }
0x60: {  	_ =	shalt  }
0x61: {  	_ =	shalt  }
0x62: {  	_ =	shalt  }
0x63: {  	_ =	shalt  }
0x64: {  	_ =	shalt  }
0x65: {  	_ =	shalt  }
0x66: {  	_ =	shalt  }
0x67: {  	_ =	shalt  }
0x68: {  	_ =	shalt  }
0x69: {  	_ =	shalt  }
0x6a: {  	_ =	shalt  }
0x6b: {  	_ =	shalt  }
0x6c: {  	_ =	shalt  }
0x6d: {  	_ =	shalt  }
0x6e: {  	_ =	shalt  }
0x6f: {  	_ =	shalt  }
0x70: {  	_ =	shalt  }
0x71: {  	_ =	shalt  }
0x72: {  	_ =	shalt  }
0x73: {  	_ =	shalt  }
0x74: {  	_ =	shalt  }
0x75: {  	_ =	shalt  }
0x76: {  	_ =	shalt  }
0x77: {  	_ =	shalt  }
0x78: {  	_ =	shalt  }
0x79: {  	_ =	shalt  }
0x7a: {  	_ =	shalt  }
0x7b: {  	_ =	shalt  }
0x7c: {  	_ =	shalt  }
0x7d: {  	_ =	shalt  }
0x7e: {  	_ =	shalt  }
0x7f: {  	_ =	shalt  }
0x80: {  	_ =	shalt  }
0x81: {  	_ =	shalt  }
0x82: {  	_ =	shalt  }
0x83: {  	_ =	shalt  }
0x84: {  	_ =	shalt  }
0x85: {  	_ =	shalt  }
0x86: {  	_ =	shalt  }
0x87: {  	_ =	shalt  }
.Lfunc_end0:
.L_simem_size_0:
called_computation_lowered:
.L_overlay_start_0:
0x88: {  	s0 =	sld [smem:$0x3FD9]  }
0x89: {  	s1 =	sld [smem:$0x3FFE];
	_ =	sdelay $0x3  }
0x8a: {  	s0 =	sadd.s32 s1, s0  }
0x8b: {  	[smem:$0x3FC5] =	sst s0  }
0x8c: {  	_ = 	snop  }
0x8d: {  	s0 =	sld [smem:$0x3FC7];
	(tm) =	ssettm $0x1  }
0x8e: {  	s16 =	sld [smem:$0x3FFB];
	_ =	sdelay $0x3  }
0x8f: {  	_ =	strace s16  }
0x90: {  	s1 =	sld [smem:$0x3FFC];
	_ =	sdelay $0x3  }
0x91: {  	_ =	strace s1  }
0x92: {  	s1 =	sld [smem:$0x3FFD];
	_ =	sdelay $0x3  }
0x93: {  	_ =	strace s1  }
0x94: {  	_ =	strace $0x8FFFFFFF  }
0x95: {  	s17 =	sld [smem:$0x3FDB];
	_ =	sdelay $0x1  }
0x96: {  	s2 =	simm.s32 $_scs_section_size  }
0x97: {  	s3 =	simm.s32 $_size__tile_overlayer_lowered;
	s4 =	simm.s32 $_tile_overlayer_lowered  }
0x98: {  	s20 =	simm.s32 $0x1BFF;
	s19 =	sshll.u32 s4, $0x1;
	s1 =	sadd.s32 s2, s17  }
0x99: {  	s5 =	simm.s32 $0x0;
	s18 =	sshll.u32 s3, $0x1;
	s3 =	sadd.s32 s19, s1  }
0x9a: {  	[timem:s5], [sflag:s20] =	dma.local [hbm:s3], s18  }
0x9b: {  	_ =	swait.ge [sflag:s20], s18  }
0x9c: {  	s2 =	ssub.s32 $0x0, s18;
	[sflag:s20] =	ssyncset.done $0x0  }
0x9d: {  	[sflag:s20] =	ssyncadd.s32 s2;
	_ =	sdelay $0x1  }
0x9e: {  	s21 =	simm.s32 $0x1B8B  }
0x9f: {  	_ =	swait.ge [sflag:s21], $0x1  }
0xa0: {  	[sflag:s21] =	ssyncset.done $0x0  }
0xa1: {  	s23 =	simm.s32 $0x1B8E;
	s22 =	sld [smem:$0x3FFE];
	[sflag:s21] =	ssyncadd.s32 $0xFFFFFFFF  }
0xa2: {  	s24 =	simm.s32 $execute0_lowered;
	[smem:$0x3FD2] =	sst s23  }
0xa3: {  	s3 =	sshll.u32 s24, $0x1;
	_ =	strace $0x80000046;
	[dreg:$0x1] =	wrdreg $0xFFFFFFFF  }
0xa4: {  	s25 =	simm.s32 $_size_execute0_lowered;
	s1 =	sadd.s32 s1, s3;
	[dreg:$0x0] =	wrdreg $0x0  }
0xa5: {  	s3 =	sshll.u32 s25, $0x1;
	[dreg:$0x2] =	wrdreg s1  }
0xa6: {  	[dreg:$0x3] =	wrdreg s3  }
0xa7: {  	[dreg:$0x4] =	wrdreg $0xC0  }
0xa8: {  	_ =	task [dreg:s5], $0x5FFFF  }
0xa9: {  	[dreg:$0x1] =	wrdreg $0xFFFFFFFF  }
0xaa: {  	[dreg:$0x0] =	wrdreg $0x60  }
0xab: {  	[dreg:$0x2] =	wrdreg s22  }
0xac: {  	[dreg:$0x3] =	wrdreg s0  }
0xad: {  	[dreg:$0x4] =	wrdreg $0xC9800  }
0xae: {  	[dreg:$0x5] =	wrdreg $0xCB000  }
0xaf: {  	[dreg:$0x6] =	wrdreg $0xCC800  }
0xb0: {  	[dreg:$0x7] =	wrdreg $0x9  }
0xb1: {  	_ =	task.clear_ibuf [dreg:s5], $0x8FFFF;
	_ =	strace $0x90000046  }
0xb2: {  	s26 =	simm.s32 $0x9;
	_ =	strace $0x80000051  }
0xb3: {  	_ =	swait.ge [sflag:s26], $0x1  }
0xb4: {  	[sflag:s26] =	ssyncadd.s32 $0xFFFFFFFF  }
0xb5: {  	_ =	strace $0x90000051  }
0xb6: {  	_ =	sfence  }
0xb7: {  	s28 =	sld [smem:$0x0];
	_ =	sdelay $0x1  }
0xb8: {  	s29 =	srdreg.scid  }
0xb9: {  	s30 =	sshll.u32 s29, $0xD;
	s31 =	sshrl.u32 s29, $0x2  }
0xba: {  	s2 =	sand.u32 $0x4000, s30;
	s1 =	sand.u32 $0x1, s29;
	s0 =	sadd.s32 s31, s28  }
0xbb: {  	s1 =	sor.u32 s2, s1;
	s0 =	sshll.u32 s0, $0x11  }
0xbc: {  	s0 =	sor.u32 s0, s1  }
0xbd: {  	s0 =	sadd.s32 $0x8F2B, s0  }
0xbe: {  	[sflag:s0] =	ssyncadd.remote.s32 $0x1  }
0xbf: {  	_ =	sfence.sel $0xFFFF  }
0xc0: {  	[dreg:$0x0] =	wrdreg $0xFFFFFFFF;
	(pc) =	sbr.abs _section_cstart, $3  }
0xc1: {  	[dreg:$0x1] =	wrdreg $0xFFFFFFFF  }
0xc2: {  	_ =	task.clear_ibuf [dreg:s5], $0x2FFFF;
	_ =	strace $0x9FFFFFFF  }
0xc3: {  	(tm) =	ssettm $0x7FFFFFFF  }
tec
execute0_lowered:
.L_overlay_start_1:
0x0: {  	(tag) =	ssettag $0x1  }
0x1: {  	s3 =	rddreg [dreg:$0x0]  }
0x2: {  	s5 =	rddreg [dreg:$0x1]  }
0x3: {  	s9 =	rddreg [dreg:$0x2]  }
0x4: {  	s8 =	rddreg [dreg:$0x3]  }
0x5: {  	s2 =	rddreg [dreg:$0x4]  }
0x6: {  	s0 =	rddreg [dreg:$0x5];
	s6 =	simm.s32 $0x0;
	s4 =	stileid.u32  }
0x7: {  	s1 =	simm.s32 $0x1720;
	[smem:$0x7FF] =	sst s6;
	s10 =	smul.u32 $0x310, s4  }
0x8: {  	s11 =	simm.s32 $0x1900;
	p1 =	seq.s32 s4, $0xF;
	_ =	strace $0x80000047  }
0x9: {  	s1 =	simm.s32 @!p1 $0x1880;
	s7 =	sadd.s32 s3, s10;
	_ =	strace $0x80000048  }
0xa: {  	[tilespmem:s11], [sflag:$0x1] =	stream.linear.gather [hbm4b:s7+s6], s1, $0x200038;
	[tilespmem:$0xCE00] =	vst v63  }
0xb: {  	s31 =	simm.s32 $0x3180;
	s7 =	sadd.s32 $0x3200, s7  }
0xc: {  	[tilespmem:s31], [sflag:$0x1] =	stream.linear.gather [hbm4b:s7+s6], s1, $0x200038;
	[tilespmem:$0xCE00] =	vst v63  }
0xd: {  	s5 =	sadd.s32 s5, s10  }
0xe: {  	[tilespmem:s6], [sflag:$0x1] =	stream.linear.gather [hbm4b:s5+s6], s1, $0x200038;
	[tilespmem:$0xCE00] =	vst v63  }
0xf: {  	s17 =	sadd.s32 $0x6400, s3;
	_ =	strace $0x90000048  }
0x10: {  	v0 =	vimm.f32 $0.0e+00;
	s3 =	simm.s32 $0x0;
	s5 =	simm.s32 $0x200;
	_ =	strace $0x80000049  }
.LBB2_1:
0x11: {  	p0 =	sne.s32 s5, $0x5E00;
	[tilespmem:s3+$0x7AF0] =	vst v0  }
0x12: {  	[tilespmem:s3+$0x6280] =	vst v0  }
0x13: {  	[tilespmem:s3+$0x7A80] =	vst v0  }
0x14: {  	[tilespmem:s3+$0x6290] =	vst v0  }
0x15: {  	[tilespmem:s3+$0x7A90] =	vst v0  }
0x16: {  	[tilespmem:s3+$0x62A0] =	vst v0  }
0x17: {  	[tilespmem:s3+$0x7AA0] =	vst v0  }
0x18: {  	[tilespmem:s3+$0x62B0] =	vst v0  }
0x19: {  	[tilespmem:s3+$0x7AB0] =	vst v0  }
0x1a: {  	[tilespmem:s3+$0x62C0] =	vst v0  }
0x1b: {  	[tilespmem:s3+$0x7AC0] =	vst v0  }
.Ltmp0:
0x1c: {  	[tilespmem:s3+$0x62D0] =	vst v0;
	(pc) =	sbr.rel @p0 .LBB2_1-.Ltmp0, $4  }
0x1d: {  	[tilespmem:s3+$0x7AD0] =	vst v0  }
0x1e: {  	[tilespmem:s3+$0x62E0] =	vst v0  }
0x1f: {  	[tilespmem:s3+$0x7AE0] =	vst v0  }
0x20: {  	[tilespmem:s3+$0x62F0] =	vst v0;
	s3 =	sshra.s32 s5, $0x2;
	s5 =	sadd.s32 $0x200, s5  }
0x21: {  	[tilespmem:s3+$0x7AF0] =	vst v0  }
0x22: {  	[tilespmem:s3+$0x6280] =	vst v0  }
0x23: {  	[tilespmem:s3+$0x7A80] =	vst v0  }
0x24: {  	[tilespmem:s3+$0x6290] =	vst v0  }
0x25: {  	[tilespmem:s3+$0x7A90] =	vst v0  }
0x26: {  	[tilespmem:s3+$0x62A0] =	vst v0  }
0x27: {  	[tilespmem:s3+$0x7AA0] =	vst v0  }
0x28: {  	[tilespmem:s3+$0x62B0] =	vst v0  }
0x29: {  	[tilespmem:s3+$0x7AB0] =	vst v0  }
0x2a: {  	[tilespmem:s3+$0x62C0] =	vst v0  }
0x2b: {  	[tilespmem:s3+$0x7AC0] =	vst v0  }
0x2c: {  	[tilespmem:s3+$0x62D0] =	vst v0  }
0x2d: {  	[tilespmem:s3+$0x7AD0] =	vst v0  }
0x2e: {  	[tilespmem:s3+$0x62E0] =	vst v0  }
0x2f: {  	[tilespmem:s3+$0x7AE0] =	vst v0  }
0x30: {  	[tilespmem:s3+$0x62F0] =	vst v0;
	v0 =	vlaneseq.u32  }
0x31: {  	[tilespmem:$0xB080] =	vst v0;
	v1 =	vor.u32 $0x10, v0  }
0x32: {  	p0 =	sne.s32 s4, $0x0;
	v0 =	vor.u32 $0x20, v0;
	[tilespmem:$0xB090] =	vst v1  }
0x33: {  	s3 =	simm.s32 @!p0 $0x6280;
	[tilespmem:$0xB0A0] =	vst v0  }
0x34: {  	[spmem:s9] =	stream.linear.scatter @!p0 [tilespmem:s3], [sflag:$0x2], $0x1800, $0x200038;
	[tilespmem:$0xCE00] =	vst v63  }
0x35: {  	s3 =	simm.s32 @!p0 $0x2  }
0x36: {  	_ =	swait.ge @!p0 [sflag:s3], $0x1800  }
0x37: {  	[sflag:s3] =	ssyncset.done @!p0 $0x0  }
0x38: {  	s5 =	simm.s32 @!p0 $0x7A80;
	[sflag:s3] =	ssyncadd.s32 @!p0 $0xFFFFE800  }
0x39: {  	[spmem:s8] =	stream.linear.scatter @!p0 [tilespmem:s5], [sflag:$0x2], $0x1800, $0x200038;
	[tilespmem:$0xCE00] =	vst v63  }
0x3a: {  	_ =	swait.ge @!p0 [sflag:s3], $0x1800  }
0x3b: {  	[sflag:s3] =	ssyncset.done @!p0 $0x0  }
0x3c: {  	[sflag:s3] =	ssyncadd.s32 @!p0 $0xFFFFE800  }
0x3d: {  	_ =	strace $0x90000049  }
0x3e: {  	[bflag:$0x0] =	sbarrier.arrive $0xFFFF  }
0x3f: {  	s31 =	simm.s32 $0x1;
	_ =	strace $0x8000004A  }
0x40: {  	s3 =	simm.s32 $0xFFFFE8E0;
	_ =	swait.ge [sflag:s31], s1  }
0x41: {  	s3 =	simm.s32 @!p1 $0xFFFFE780;
	[sflag:s31] =	ssyncset.done $0x0  }
0x42: {  	[sflag:s31] =	ssyncadd.s32 s3  }
0x43: {  	_ =	swait.ge [sflag:s31], s1  }
0x44: {  	p1 =	sne.s32 s4, $0xF;
	[sflag:s31] =	ssyncset.done $0x0  }
.Ltmp1:
0x45: {  	[sflag:s31] =	ssyncadd.s32 s3;
	(pc) =	sbr.rel @p1 .LBB2_4-.Ltmp1, $4  }
0x46: {  	_ =	swait.ge [sflag:s31], s1  }
0x47: {  	[sflag:s31] =	ssyncset.done $0x0  }
0x48: {  	v0 =	vimm.s32 $0x1388;
	[sflag:s31] =	ssyncadd.s32 s3  }
0x49: {  	s11 =	smul.u32 $0x180, s4;
	s4 =	simm.s32 $0x62;
	[tilespmem:$0x1880] =	vst v0  }
0x4a: {  	[tilespmem:$0x1720] =	vst v0  }
0x4b: {  	[tilespmem:$0x1730] =	vst v0  }
0x4c: {  	[tilespmem:$0x1740] =	vst v0  }
0x4d: {  	[tilespmem:$0x1750] =	vst v0  }
0x4e: {  	[tilespmem:$0x1760] =	vst v0  }
0x4f: {  	[tilespmem:$0x1770] =	vst v0  }
0x50: {  	[tilespmem:$0x1780] =	vst v0  }
0x51: {  	[tilespmem:$0x1790] =	vst v0  }
0x52: {  	[tilespmem:$0x17A0] =	vst v0  }
0x53: {  	[tilespmem:$0x17B0] =	vst v0  }
0x54: {  	[tilespmem:$0x17C0] =	vst v0  }
0x55: {  	[tilespmem:$0x17D0] =	vst v0  }
0x56: {  	[tilespmem:$0x17E0] =	vst v0  }
0x57: {  	[tilespmem:$0x17F0] =	vst v0  }
0x58: {  	[tilespmem:$0x1800] =	vst v0  }
0x59: {  	[tilespmem:$0x1810] =	vst v0  }
0x5a: {  	[tilespmem:$0x1820] =	vst v0  }
0x5b: {  	[tilespmem:$0x1830] =	vst v0  }
0x5c: {  	[tilespmem:$0x1840] =	vst v0  }
0x5d: {  	[tilespmem:$0x1850] =	vst v0  }
0x5e: {  	[tilespmem:$0x1860] =	vst v0  }
0x5f: {  	v1 =	vimm.f32 $0.0e+00;
	[tilespmem:$0x1870] =	vst v0  }
0x60: {  	v2 =	vimm.f32 $1.000000000e+00;
	[tilespmem:$0x3020] =	vst v1  }
0x61: {  	[tilespmem:$0x48A0] =	vst v2  }
0x62: {  	[tilespmem:$0x3030] =	vst v1  }
0x63: {  	[tilespmem:$0x48B0] =	vst v2  }
0x64: {  	[tilespmem:$0x3040] =	vst v1  }
0x65: {  	[tilespmem:$0x48C0] =	vst v2  }
0x66: {  	[tilespmem:$0x3050] =	vst v1  }
0x67: {  	[tilespmem:$0x48D0] =	vst v2  }
0x68: {  	[tilespmem:$0x3060] =	vst v1  }
0x69: {  	[tilespmem:$0x48E0] =	vst v2  }
0x6a: {  	[tilespmem:$0x3070] =	vst v1  }
0x6b: {  	[tilespmem:$0x48F0] =	vst v2  }
0x6c: {  	[tilespmem:$0x3080] =	vst v1  }
0x6d: {  	[tilespmem:$0x4900] =	vst v2  }
0x6e: {  	[tilespmem:$0x3090] =	vst v1  }
0x6f: {  	[tilespmem:$0x4910] =	vst v2  }
0x70: {  	[tilespmem:$0x30A0] =	vst v1  }
0x71: {  	[tilespmem:$0x4920] =	vst v2  }
0x72: {  	[tilespmem:$0x30B0] =	vst v1  }
0x73: {  	[tilespmem:$0x4930] =	vst v2  }
0x74: {  	[tilespmem:$0x30C0] =	vst v1  }
0x75: {  	[tilespmem:$0x4940] =	vst v2  }
0x76: {  	[tilespmem:$0x30D0] =	vst v1  }
0x77: {  	[tilespmem:$0x4950] =	vst v2  }
0x78: {  	[tilespmem:$0x30E0] =	vst v1  }
0x79: {  	[tilespmem:$0x4960] =	vst v2  }
0x7a: {  	[tilespmem:$0x30F0] =	vst v1  }
0x7b: {  	[tilespmem:$0x4970] =	vst v2  }
0x7c: {  	[tilespmem:$0x3100] =	vst v1  }
0x7d: {  	[tilespmem:$0x4980] =	vst v2  }
0x7e: {  	[tilespmem:$0x3110] =	vst v1  }
0x7f: {  	[tilespmem:$0x4990] =	vst v2  }
0x80: {  	[tilespmem:$0x3120] =	vst v1  }
0x81: {  	[tilespmem:$0x49A0] =	vst v2  }
0x82: {  	[tilespmem:$0x3130] =	vst v1  }
0x83: {  	[tilespmem:$0x49B0] =	vst v2  }
0x84: {  	[tilespmem:$0x3140] =	vst v1  }
0x85: {  	[tilespmem:$0x49C0] =	vst v2  }
0x86: {  	[tilespmem:$0x3150] =	vst v1  }
0x87: {  	[tilespmem:$0x49D0] =	vst v2  }
0x88: {  	[tilespmem:$0x3160] =	vst v1  }
0x89: {  	[tilespmem:$0x49E0] =	vst v2  }
0x8a: {  	[tilespmem:$0x3170] =	vst v1  }
0x8b: {  	s4 =	simm.s32 $0x5C;
	[tilespmem:$0x49F0] =	vst v2  }
.LBB2_4:
0x8c: {  	_ =	strace $0x9000004A  }
0x8d: {  	s14 =	simm.s32 $0x31A0;
	_ =	strace $0x8000004B  }
0x8e: {  	v0 =	vld [tilespmem:s14+$0xFFFFFFE0];
	_ =	sdelay $0x4  }
0x8f: {  	(erf) = vrcp.f32 v0;
	_ =	sdelay $0x4  }
0x90: {  	s5 =	simm.s32 $0x1920  }
0x91: {  	v0 =	vld [tilespmem:s5+$0xFFFFFFE0];
	_ =	sdelay $0x2  }
0x92: {  	s6 =	simm.s32 $0x20;
	s7 =	simm.s32 $0x4A20;
	v2 =	vpop (erf)  }
0x93: {  	v1 =	vld [tilespmem:s6+$0xFFFFFFE0];
	[tilespmem:s7+$0xFFFFFFE0] =	vst v2  }
0x94: {  	v0 =	vmul.f32 v2, v0;
	v3 =	vld [tilespmem:s6+$0xFFFFFFE1]  }
0x95: {  	(xrf2) =	vadd.scan.msk.f32 $0xffff, v2  }
0x96: {  	(xrf2) =	vadd.scan.msk.f32 $0xffff, v0;
	_ =	sdelay $0x2  }
0x97: {  	vm0 =	vcmask $0x3F3C;
	vm2 =	vne.s32 v1, v3  }
0x98: {  	vm3 =	vmor vm2, vm0  }
0x99: {  	vm1 =	vmmov $0x7fff  }
0x9a: {  	vm2 =	vmand vm2, vm1;
	_ =	sdelay $0x2  }
0x9b: {  	s13 =	simm.s32 $0x6280;
	v0, _, _ =	vpop (xrf2)  }
0x9c: {  	s12 =	simm.s32 $0x7A80;
	v2, _, _ =	vpop (xrf2);
	[tilespmem:v1+s13+$0x0] =	vst.idx.add.f32.msk vm3, v0;
	v0 =	vsub.f32 $0.0e+00, v0  }
0x9d: {  	[tilespmem:v1+s12+$0x0] =	vst.idx.add.f32.msk vm3, v2;
	v1 =	vsub.f32 $0.0e+00, v2  }
0x9e: {  	[tilespmem:v3+s13+$0x0] =	vst.idx.add.f32.msk vm2, v0  }
0x9f: {  	[tilespmem:v3+s12+$0x0] =	vst.idx.add.f32.msk vm2, v1  }
0xa0: {  	v0 =	vld [tilespmem:s14+$0xFFFFFFF0];
	_ =	sdelay $0x4  }
0xa1: {  	(erf) = vrcp.f32 v0;
	_ =	sdelay $0x5  }
0xa2: {  	v0 =	vld [tilespmem:s5+$0xFFFFFFF0];
	_ =	sdelay $0x2  }
0xa3: {  	v2 =	vpop (erf)  }
0xa4: {  	v1 =	vld [tilespmem:s6+$0xFFFFFFF0];
	[tilespmem:s7+$0xFFFFFFF0] =	vst v2  }
0xa5: {  	v0 =	vmul.f32 v2, v0;
	v3 =	vld [tilespmem:s6+$0xFFFFFFF1]  }
0xa6: {  	(xrf2) =	vadd.scan.msk.f32 $0xffff, v2  }
0xa7: {  	(xrf2) =	vadd.scan.msk.f32 $0xffff, v0;
	_ =	sdelay $0x2  }
0xa8: {  	vm2 =	vne.s32 v1, v3  }
0xa9: {  	vm3 =	vmor vm2, vm0;
	_ =	sdelay $0x1  }
0xaa: {  	vm2 =	vmand vm2, vm1;
	_ =	sdelay $0x2  }
0xab: {  	v0, _, _ =	vpop (xrf2)  }
0xac: {  	v2, _, _ =	vpop (xrf2);
	[tilespmem:v1+s13+$0x0] =	vst.idx.add.f32.msk vm3, v0;
	v0 =	vsub.f32 $0.0e+00, v0  }
0xad: {  	[tilespmem:v1+s12+$0x0] =	vst.idx.add.f32.msk vm3, v2;
	v1 =	vsub.f32 $0.0e+00, v2  }
0xae: {  	[tilespmem:v3+s13+$0x0] =	vst.idx.add.f32.msk vm2, v0  }
0xaf: {  	[tilespmem:v3+s12+$0x0] =	vst.idx.add.f32.msk vm2, v1  }
0xb0: {  	v0 =	vld [tilespmem:s14+$0x0];
	_ =	sdelay $0x4  }
0xb1: {  	(erf) = vrcp.f32 v0;
	_ =	sdelay $0x5  }
0xb2: {  	v0 =	vld [tilespmem:s5+$0x0];
	_ =	sdelay $0x2  }
0xb3: {  	v2 =	vpop (erf)  }
0xb4: {  	v1 =	vld [tilespmem:s6+$0x0];
	[tilespmem:s7+$0x0] =	vst v2  }
0xb5: {  	v0 =	vmul.f32 v2, v0;
	v3 =	vld [tilespmem:s6+$0x1]  }
0xb6: {  	(xrf2) =	vadd.scan.msk.f32 $0xffff, v2  }
0xb7: {  	(xrf2) =	vadd.scan.msk.f32 $0xffff, v0;
	_ =	sdelay $0x2  }
0xb8: {  	vm2 =	vne.s32 v1, v3  }
0xb9: {  	vm3 =	vmor vm2, vm0;
	_ =	sdelay $0x1  }
0xba: {  	vm2 =	vmand vm2, vm1;
	_ =	sdelay $0x2  }
0xbb: {  	v0, _, _ =	vpop (xrf2)  }
0xbc: {  	v2, _, _ =	vpop (xrf2);
	[tilespmem:v1+s13+$0x0] =	vst.idx.add.f32.msk vm3, v0;
	v0 =	vsub.f32 $0.0e+00, v0  }
0xbd: {  	[tilespmem:v1+s12+$0x0] =	vst.idx.add.f32.msk vm3, v2;
	v1 =	vsub.f32 $0.0e+00, v2  }
0xbe: {  	[tilespmem:v3+s13+$0x0] =	vst.idx.add.f32.msk vm2, v0  }
0xbf: {  	[tilespmem:v3+s12+$0x0] =	vst.idx.add.f32.msk vm2, v1  }
0xc0: {  	v0 =	vld [tilespmem:s14+$0x10];
	_ =	sdelay $0x4  }
0xc1: {  	(erf) = vrcp.f32 v0;
	_ =	sdelay $0x5  }
0xc2: {  	v0 =	vld [tilespmem:s5+$0x10];
	_ =	sdelay $0x2  }
0xc3: {  	v2 =	vpop (erf)  }
0xc4: {  	v1 =	vld [tilespmem:s6+$0x10];
	[tilespmem:s7+$0x10] =	vst v2  }
0xc5: {  	v3 =	vmul.f32 v2, v0;
	v0 =	vld [tilespmem:s6+$0x11]  }
0xc6: {  	(xrf2) =	vadd.scan.msk.f32 $0xffff, v2  }
0xc7: {  	(xrf2) =	vadd.scan.msk.f32 $0xffff, v3;
	_ =	sdelay $0x2  }
0xc8: {  	vm2 =	vne.s32 v1, v0  }
0xc9: {  	vm3 =	vmor vm2, vm0;
	_ =	sdelay $0x1  }
0xca: {  	vm2 =	vmand vm2, vm1  }
0xcb: {  	p2 =	sne.s32 s4, $0x1  }
.Ltmp2:
0xcc: {  	_ = 	snop;
	(pc) =	sbr.rel @!p2 .LBB2_6-.Ltmp2, $4  }
0xcd: {  	v2, _, _ =	vpop (xrf2)  }
0xce: {  	s10 =	sadd.s32 s17, s10;
	s17 =	sadd.s32 $0xFFFFFFFF, s4;
	v3, _, _ =	vpop (xrf2);
	[tilespmem:v1+s13+$0x0] =	vst.idx.add.f32.msk vm3, v2;
	v2 =	vsub.f32 $0.0e+00, v2  }
0xcf: {  	s18 =	simm.s32 $0x4A60;
	s19 =	simm.s32 $0x20;
	s20 =	simm.s32 $0x1920;
	[tilespmem:v1+s12+$0x0] =	vst.idx.add.f32.msk vm3, v3;
	v1 =	vsub.f32 $0.0e+00, v3  }
0xd0: {  	s16 =	sadd.s32 s11, s9;
	s15 =	sadd.s32 s11, s8;
	s11 =	sadd.s32 s11, s2;
	[tilespmem:v0+s13+$0x0] =	vst.idx.add.f32.msk vm2, v2  }
.LBB2_5:
0xd1: {  	[tilespmem:v0+s12+$0x0] =	vst.idx.add.f32.msk vm2, v1;
	s19 =	sadd.s32 $0x40, s19;
	s14 =	sadd.s32 $0x40, s14;
	s20 =	sadd.s32 $0x40, s20  }
0xd2: {  	p2 =	sne.s32 s17, $0x1;
	s17 =	sadd.s32 $0xFFFFFFFF, s17;
	v0 =	vld [tilespmem:s14+$0xFFFFFFE0];
	_ =	sdelay $0x4  }
0xd3: {  	(erf) = vrcp.f32 v0;
	_ =	sdelay $0x4  }
0xd4: {  	v0 =	vld [tilespmem:s20+$0xFFFFFFE0];
	_ =	sdelay $0x3  }
0xd5: {  	v1 =	vld [tilespmem:s19+$0xFFFFFFE0];
	v2 =	vpop (erf)  }
0xd6: {  	v0 =	vmul.f32 v2, v0;
	[tilespmem:s18+$0xFFFFFFE0] =	vst v2;
	(xrf2) =	vadd.scan.msk.f32 $0xffff, v2  }
0xd7: {  	v2 =	vld [tilespmem:s19+$0xFFFFFFE1];
	_ =	sdelay $0x1  }
0xd8: {  	(xrf2) =	vadd.scan.msk.f32 $0xffff, v0;
	_ =	sdelay $0x2  }
0xd9: {  	vm2 =	vne.s32 v1, v2  }
0xda: {  	vm3 =	vmor vm2, vm0;
	_ =	sdelay $0x1  }
0xdb: {  	vm2 =	vmand vm2, vm1  }
0xdc: {  	v0, _, _ =	vpop (xrf2);
	_ =	sdelay $0x2  }
0xdd: {  	[tilespmem:v1+s13+$0x0] =	vst.idx.add.f32.msk vm3, v0;
	v0 =	vsub.f32 $0.0e+00, v0;
	v3, _, _ =	vpop (xrf2)  }
0xde: {  	[tilespmem:v1+s12+$0x0] =	vst.idx.add.f32.msk vm3, v3;
	v1 =	vsub.f32 $0.0e+00, v3  }
0xdf: {  	[tilespmem:v2+s13+$0x0] =	vst.idx.add.f32.msk vm2, v0  }
0xe0: {  	[tilespmem:v2+s12+$0x0] =	vst.idx.add.f32.msk vm2, v1  }
0xe1: {  	v0 =	vld [tilespmem:s14+$0xFFFFFFF0];
	_ =	sdelay $0x4  }
0xe2: {  	(erf) = vrcp.f32 v0;
	_ =	sdelay $0x4  }
0xe3: {  	v0 =	vld [tilespmem:s20+$0xFFFFFFF0];
	_ =	sdelay $0x3  }
0xe4: {  	v1 =	vld [tilespmem:s19+$0xFFFFFFF0];
	v2 =	vpop (erf)  }
0xe5: {  	v0 =	vmul.f32 v2, v0;
	[tilespmem:s18+$0xFFFFFFF0] =	vst v2;
	(xrf2) =	vadd.scan.msk.f32 $0xffff, v2  }
0xe6: {  	v2 =	vld [tilespmem:s19+$0xFFFFFFF1];
	_ =	sdelay $0x1  }
0xe7: {  	(xrf2) =	vadd.scan.msk.f32 $0xffff, v0;
	_ =	sdelay $0x2  }
0xe8: {  	vm2 =	vne.s32 v1, v2  }
0xe9: {  	vm3 =	vmor vm2, vm0;
	_ =	sdelay $0x1  }
0xea: {  	vm2 =	vmand vm2, vm1  }
0xeb: {  	v0, _, _ =	vpop (xrf2);
	_ =	sdelay $0x2  }
0xec: {  	[tilespmem:v1+s13+$0x0] =	vst.idx.add.f32.msk vm3, v0;
	v0 =	vsub.f32 $0.0e+00, v0;
	v3, _, _ =	vpop (xrf2)  }
0xed: {  	[tilespmem:v1+s12+$0x0] =	vst.idx.add.f32.msk vm3, v3;
	v1 =	vsub.f32 $0.0e+00, v3  }
0xee: {  	[tilespmem:v2+s13+$0x0] =	vst.idx.add.f32.msk vm2, v0  }
0xef: {  	[tilespmem:v2+s12+$0x0] =	vst.idx.add.f32.msk vm2, v1  }
0xf0: {  	v0 =	vld [tilespmem:s14+$0x0];
	_ =	sdelay $0x4  }
0xf1: {  	(erf) = vrcp.f32 v0;
	_ =	sdelay $0x4  }
0xf2: {  	v0 =	vld [tilespmem:s20+$0x0];
	_ =	sdelay $0x3  }
0xf3: {  	v1 =	vld [tilespmem:s19+$0x0];
	v2 =	vpop (erf)  }
0xf4: {  	v0 =	vmul.f32 v2, v0;
	[tilespmem:s18+$0x0] =	vst v2;
	(xrf2) =	vadd.scan.msk.f32 $0xffff, v2  }
0xf5: {  	v2 =	vld [tilespmem:s19+$0x1];
	_ =	sdelay $0x1  }
0xf6: {  	(xrf2) =	vadd.scan.msk.f32 $0xffff, v0;
	_ =	sdelay $0x2  }
0xf7: {  	vm2 =	vne.s32 v1, v2  }
0xf8: {  	vm3 =	vmor vm2, vm0;
	_ =	sdelay $0x1  }
0xf9: {  	vm2 =	vmand vm2, vm1  }
0xfa: {  	v0, _, _ =	vpop (xrf2);
	_ =	sdelay $0x2  }
0xfb: {  	[tilespmem:v1+s13+$0x0] =	vst.idx.add.f32.msk vm3, v0;
	v0 =	vsub.f32 $0.0e+00, v0;
	v3, _, _ =	vpop (xrf2)  }
0xfc: {  	[tilespmem:v1+s12+$0x0] =	vst.idx.add.f32.msk vm3, v3;
	v1 =	vsub.f32 $0.0e+00, v3  }
0xfd: {  	[tilespmem:v2+s13+$0x0] =	vst.idx.add.f32.msk vm2, v0  }
0xfe: {  	[tilespmem:v2+s12+$0x0] =	vst.idx.add.f32.msk vm2, v1  }
0xff: {  	v0 =	vld [tilespmem:s14+$0x10]  }
0x100: {  	v1 =	vld [tilespmem:s20+$0x10]  }
0x101: {  	v2 =	vld [tilespmem:s19+$0x10];
	_ =	sdelay $0x2  }
0x102: {  	(erf) = vrcp.f32 v0;
	_ =	sdelay $0x8  }
0x103: {  	v0 =	vpop (erf)  }
0x104: {  	v1 =	vmul.f32 v0, v1;
	[tilespmem:s18+$0x10] =	vst v0;
	(xrf2) =	vadd.scan.msk.f32 $0xffff, v0  }
0x105: {  	v0 =	vld [tilespmem:s19+$0x11];
	_ =	sdelay $0x1  }
0x106: {  	(xrf2) =	vadd.scan.msk.f32 $0xffff, v1;
	_ =	sdelay $0x2  }
0x107: {  	vm2 =	vne.s32 v2, v0  }
0x108: {  	vm3 =	vmor vm2, vm0;
	_ =	sdelay $0x1  }
0x109: {  	vm2 =	vmand vm2, vm1  }
0x10a: {  	v1, _, _ =	vpop (xrf2)  }
.Ltmp3:
0x10b: {  	(pc) =	sbr.rel @p2 .LBB2_5-.Ltmp3, $4  }
0x10c: {  	_ = 	snop  }
0x10d: {  	v3 =	vsub.f32 $0.0e+00, v1;
	[tilespmem:v2+s13+$0x0] =	vst.idx.add.f32.msk vm3, v1;
	v1, _, _ =	vpop (xrf2)  }
0x10e: {  	[tilespmem:v2+s12+$0x0] =	vst.idx.add.f32.msk vm3, v1;
	v1 =	vsub.f32 $0.0e+00, v1  }
0x10f: {  	s18 =	sadd.s32 $0x40, s18;
	[tilespmem:v0+s13+$0x0] =	vst.idx.add.f32.msk vm2, v3  }
.LBB2_6:
0x110: {  	_ =	sdelay $0x4  }
0x111: {  	[tilespmem:v0+s12+$0x0] =	vst.idx.add.f32.msk vm2, v1  }
0x112: {  	v0 =	vld @!p1 [tilespmem:$0x4880];
	_ =	sdelay $0x4  }
0x113: {  	(erf) = vrcp.f32 @!p1 v0;
	_ =	sdelay $0x4  }
0x114: {  	v0 =	vld @!p1 [tilespmem:$0x3000];
	_ =	sdelay $0x3  }
0x115: {  	v1 =	vld @!p1 [tilespmem:$0x1700];
	v2 =	vpop @!p1 (erf)  }
0x116: {  	v3 =	vld @!p1 [tilespmem:$0x1701];
	v0 =	vmul.f32 @!p1 v2, v0  }
0x117: {  	(xrf2) =	vadd.scan.msk.f32 @!p1 $0xffff, v2  }
0x118: {  	(xrf2) =	vadd.scan.msk.f32 @!p1 $0xffff, v0;
	_ =	sdelay $0x2  }
0x119: {  	vm1 =	vcmask @!p1 $0x3F3C;
	vm0 =	vne.s32 @!p1 v1, v3  }
0x11a: {  	vm2 =	vmor @!p1 vm0, vm1  }
0x11b: {  	vm3 =	vmmov @!p1 $0x7fff  }
0x11c: {  	vm0 =	vmand @!p1 vm0, vm3;
	_ =	sdelay $0x2  }
0x11d: {  	s14 =	simm.s32 @!p1 $0x6280;
	[tilespmem:$0x6100] =	vst @!p1 v2;
	v0, _, _ =	vpop @!p1 (xrf2)  }
0x11e: {  	s17 =	simm.s32 @!p1 $0x7A80;
	[tilespmem:v1+s14+$0x0] =	vst.idx.add.f32.msk @!p1 vm2, v0;
	v0 =	vsub.f32 @!p1 $0.0e+00, v0;
	v2, _, _ =	vpop @!p1 (xrf2)  }
0x11f: {  	[tilespmem:v1+s17+$0x0] =	vst.idx.add.f32.msk @!p1 vm2, v2;
	v1 =	vsub.f32 @!p1 $0.0e+00, v2  }
0x120: {  	[tilespmem:v3+s14+$0x0] =	vst.idx.add.f32.msk @!p1 vm0, v0  }
0x121: {  	[tilespmem:v3+s17+$0x0] =	vst.idx.add.f32.msk @!p1 vm0, v1  }
0x122: {  	v0 =	vld @!p1 [tilespmem:$0x4890];
	_ =	sdelay $0x4  }
0x123: {  	(erf) = vrcp.f32 @!p1 v0;
	_ =	sdelay $0x4  }
0x124: {  	v0 =	vld @!p1 [tilespmem:$0x3010];
	_ =	sdelay $0x3  }
0x125: {  	v1 =	vld @!p1 [tilespmem:$0x1710];
	v2 =	vpop @!p1 (erf)  }
0x126: {  	v3 =	vld @!p1 [tilespmem:$0x1711];
	v0 =	vmul.f32 @!p1 v2, v0  }
0x127: {  	(xrf2) =	vadd.scan.msk.f32 @!p1 $0xffff, v2  }
0x128: {  	(xrf2) =	vadd.scan.msk.f32 @!p1 $0xffff, v0;
	_ =	sdelay $0x2  }
0x129: {  	vm0 =	vne.s32 @!p1 v1, v3  }
0x12a: {  	vm1 =	vmor @!p1 vm0, vm1;
	_ =	sdelay $0x1  }
0x12b: {  	vm0 =	vmand @!p1 vm0, vm3;
	_ =	sdelay $0x2  }
0x12c: {  	[tilespmem:$0x6110] =	vst @!p1 v2;
	v0, _, _ =	vpop @!p1 (xrf2)  }
0x12d: {  	[tilespmem:v1+s14+$0x0] =	vst.idx.add.f32.msk @!p1 vm1, v0;
	v0 =	vsub.f32 @!p1 $0.0e+00, v0;
	v2, _, _ =	vpop @!p1 (xrf2)  }
0x12e: {  	[tilespmem:v1+s17+$0x0] =	vst.idx.add.f32.msk @!p1 vm1, v2;
	v1 =	vsub.f32 @!p1 $0.0e+00, v2  }
0x12f: {  	[tilespmem:v3+s14+$0x0] =	vst.idx.add.f32.msk @!p1 vm0, v0  }
0x130: {  	[tilespmem:v3+s17+$0x0] =	vst.idx.add.f32.msk @!p1 vm0, v1  }
0x131: {  	s25 =	simm.s32 $0x30;
	_ =	strace $0x9000004B  }
0x132: {  	s26 =	simm.s32 $0xB080;
	s28 =	simm.s32 $0x2;
	_ =	strace $0x8000004C  }
0x133: {  	[spmem:s9] =	stream.indirect.scatter.add.f32 [tilespmem:s13], [sflag:$0x2], $0x80, s26, s25, $0x2000b8;
	[tilespmem:$0xCE00] =	vst v63  }
0x134: {  	_ =	swait.ge [sflag:s28], $0x1800  }
0x135: {  	[sflag:s28] =	ssyncset.done $0x0  }
0x136: {  	[sflag:s28] =	ssyncadd.s32 $0xFFFFE800  }
0x137: {  	[spmem:s8] =	stream.indirect.scatter.add.f32 [tilespmem:s12], [sflag:$0x2], $0x80, s26, s25, $0x2000b8;
	[tilespmem:$0xCE00] =	vst v63  }
0x138: {  	_ =	swait.ge [sflag:s28], $0x1800  }
0x139: {  	[sflag:s28] =	ssyncset.done $0x0  }
0x13a: {  	[sflag:s28] =	ssyncadd.s32 $0xFFFFE800  }
0x13b: {  	_ =	strace $0x9000004C  }
0x13c: {  	[bflag:$0x0] =	sbarrier.arrive $0xFFFF  }
0x13d: {  	s29 =	simm.s32 $0x9480;
	_ =	strace $0x8000004D  }
0x13e: {  	[tilespmem:s29], [sflag:$0x2] =	stream.linear.gather [spmem:s16], $0x180, $0x200038;
	[tilespmem:$0xCE00] =	vst v63  }
0x13f: {  	_ =	swait.ge [sflag:s28], $0x180  }
0x140: {  	[sflag:s28] =	ssyncset.done $0x0  }
0x141: {  	s30 =	simm.s32 $0x9680;
	[sflag:s28] =	ssyncadd.s32 $0xFFFFFE80  }
0x142: {  	[tilespmem:s30], [sflag:$0x2] =	stream.linear.gather [spmem:s15], $0x180, $0x200038;
	[tilespmem:$0xCE00] =	vst v63  }
0x143: {  	_ =	swait.ge [sflag:s28], $0x180  }
0x144: {  	[sflag:s28] =	ssyncset.done $0x0  }
0x145: {  	[sflag:s28] =	ssyncadd.s32 $0xFFFFFE80  }
0x146: {  	v34 =	vld [tilespmem:$0x9680]  }
0x147: {  	v35 =	vld [tilespmem:$0x9480]  }
0x148: {  	v36 =	vld [tilespmem:$0x9690]  }
0x149: {  	v37 =	vld [tilespmem:$0x9490]  }
0x14a: {  	v4 =	vld [tilespmem:$0x96A0]  }
0x14b: {  	v5 =	vld [tilespmem:$0x94A0]  }
0x14c: {  	v6 =	vld [tilespmem:$0x96B0]  }
0x14d: {  	v7 =	vld [tilespmem:$0x94B0]  }
0x14e: {  	v8 =	vld [tilespmem:$0x96C0]  }
0x14f: {  	v9 =	vld [tilespmem:$0x94C0]  }
0x150: {  	v10 =	vld [tilespmem:$0x96D0]  }
0x151: {  	v11 =	vld [tilespmem:$0x94D0]  }
0x152: {  	v12 =	vld [tilespmem:$0x96E0]  }
0x153: {  	v13 =	vld [tilespmem:$0x94E0]  }
0x154: {  	v14 =	vld [tilespmem:$0x96F0]  }
0x155: {  	v15 =	vld [tilespmem:$0x94F0]  }
0x156: {  	v16 =	vld [tilespmem:$0x9700]  }
0x157: {  	v17 =	vld [tilespmem:$0x9500]  }
0x158: {  	v18 =	vld [tilespmem:$0x9710]  }
0x159: {  	v38 =	vld [tilespmem:$0x9510];
	(erf) = vrcp.f32 v35  }
0x15a: {  	v39 =	vld [tilespmem:$0x9720];
	(erf) = vrcp.f32 v37  }
0x15b: {  	v40 =	vld [tilespmem:$0x9520];
	(erf) = vrcp.f32 v5  }
0x15c: {  	v41 =	vld [tilespmem:$0x9730];
	(erf) = vrcp.f32 v7  }
0x15d: {  	v42 =	vld [tilespmem:$0x9530];
	(erf) = vrcp.f32 v9  }
0x15e: {  	v43 =	vld [tilespmem:$0x9740];
	(erf) = vrcp.f32 v11  }
0x15f: {  	v44 =	vld [tilespmem:$0x9540];
	(erf) = vrcp.f32 v13  }
0x160: {  	v45 =	vld [tilespmem:$0x9750];
	(erf) = vrcp.f32 v15  }
0x161: {  	v46 =	vld [tilespmem:$0x9550];
	(erf) = vrcp.f32 v17  }
0x162: {  	v47 =	vld [tilespmem:$0x9560];
	v19 =	vpop (erf);
	(erf) = vrcp.f32 v38  }
0x163: {  	v49 =	vld [tilespmem:$0x9570];
	v0 =	vmul.f32 v19, v34;
	v48 =	vpop (erf);
	(erf) = vrcp.f32 v40  }
0x164: {  	v51 =	vld [tilespmem:$0x9580];
	v2 =	vmul.f32 v48, v36;
	v50 =	vpop (erf);
	(erf) = vrcp.f32 v42  }
0x165: {  	v54 =	vld [tilespmem:$0x9590];
	[tilespmem:$0x9280] =	vst v0;
	v52 =	vmul.f32 v50, v4;
	v53 =	vpop (erf);
	(erf) = vrcp.f32 v44  }
0x166: {  	v57 =	vld [tilespmem:$0x95A0];
	[tilespmem:$0x9290] =	vst v2;
	v55 =	vmul.f32 v53, v6;
	v56 =	vpop (erf);
	(erf) = vrcp.f32 v46  }
0x167: {  	v60 =	vld [tilespmem:$0x95B0];
	[tilespmem:$0x92A0] =	vst v52;
	v58 =	vmul.f32 v56, v8;
	v59 =	vpop (erf);
	(erf) = vrcp.f32 v47  }
0x168: {  	v63 =	vld [tilespmem:$0x95C0];
	[tilespmem:$0x92B0] =	vst v55;
	v61 =	vmul.f32 v59, v10;
	v62 =	vpop (erf);
	(erf) = vrcp.f32 v49  }
0x169: {  	v19 =	vld [tilespmem:$0x95D0];
	[tilespmem:$0x92C0] =	vst v58;
	v12 =	vmul.f32 v62, v12;
	v17 =	vpop (erf);
	(erf) = vrcp.f32 v51  }
0x16a: {  	v22 =	vld [tilespmem:$0x95E0];
	[tilespmem:$0x92D0] =	vst v61;
	v20 =	vmul.f32 v17, v14;
	v21 =	vpop (erf);
	(erf) = vrcp.f32 v54  }
0x16b: {  	v25 =	vld [tilespmem:$0x95F0];
	[tilespmem:$0x92E0] =	vst v12;
	v23 =	vmul.f32 v21, v16;
	v24 =	vpop (erf);
	(erf) = vrcp.f32 v57  }
0x16c: {  	v28 =	vld [tilespmem:$0x9760];
	[tilespmem:$0x92F0] =	vst v20;
	v26 =	vmul.f32 v24, v18;
	v27 =	vpop (erf);
	(erf) = vrcp.f32 v60  }
0x16d: {  	v31 =	vld [tilespmem:$0x9770];
	[tilespmem:$0x9300] =	vst v23;
	v29 =	vmul.f32 v27, v39;
	v30 =	vpop (erf);
	(erf) = vrcp.f32 v63  }
0x16e: {  	v34 =	vld [tilespmem:$0x9780];
	[tilespmem:$0x9310] =	vst v26;
	v32 =	vmul.f32 v30, v41;
	v33 =	vpop (erf);
	(erf) = vrcp.f32 v19  }
0x16f: {  	v37 =	vld [tilespmem:$0x9790];
	[tilespmem:$0x9320] =	vst v29;
	v35 =	vmul.f32 v33, v43;
	v36 =	vpop (erf);
	(erf) = vrcp.f32 v22  }
0x170: {  	v40 =	vld [tilespmem:$0x97A0];
	[tilespmem:$0x9330] =	vst v32;
	v38 =	vmul.f32 v36, v45;
	v39 =	vpop (erf);
	(erf) = vrcp.f32 v25  }
0x171: {  	v43 =	vld [tilespmem:$0x97B0];
	v41 =	vpop (erf);
	[tilespmem:$0x9340] =	vst v35;
	v42 =	vmul.f32 v39, v28  }
0x172: {  	v46 =	vld [tilespmem:$0x97C0];
	v44 =	vpop (erf);
	[tilespmem:$0x9350] =	vst v38;
	v45 =	vmul.f32 v41, v31  }
0x173: {  	v49 =	vld [tilespmem:$0x97D0];
	v47 =	vpop (erf);
	[tilespmem:$0x9360] =	vst v42;
	v48 =	vmul.f32 v44, v34  }
0x174: {  	v52 =	vld [tilespmem:$0x97E0];
	v50 =	vpop (erf);
	[tilespmem:$0x9370] =	vst v45;
	v51 =	vmul.f32 v47, v37  }
0x175: {  	v55 =	vld [tilespmem:$0x97F0];
	v53 =	vpop (erf);
	[tilespmem:$0x9380] =	vst v48;
	v54 =	vmul.f32 v50, v40  }
0x176: {  	v56 =	vpop (erf);
	[tilespmem:$0x9390] =	vst v51;
	v1 =	vmul.f32 v53, v43  }
0x177: {  	v57 =	vpop (erf);
	[tilespmem:$0x93A0] =	vst v54;
	v58 =	vmul.f32 v56, v46  }
0x178: {  	v59 =	vpop (erf);
	[tilespmem:$0x93B0] =	vst v1;
	v60 =	vmul.f32 v57, v49  }
0x179: {  	[tilespmem:$0x93C0] =	vst v58;
	v61 =	vmul.f32 v59, v52;
	v62 =	vpop (erf)  }
0x17a: {  	[tilespmem:$0x93D0] =	vst v60;
	v63 =	vmul.f32 v62, v55  }
0x17b: {  	[tilespmem:$0x93E0] =	vst v61  }
0x17c: {  	s31 =	simm.s32 $0x9280;
	[tilespmem:$0x93F0] =	vst v63  }
0x17d: {  	[spmem:s11] =	stream.linear.scatter [tilespmem:s31], [sflag:$0x2], $0x180, $0x200038;
	[tilespmem:$0xCE00] =	vst v63  }
0x17e: {  	_ =	swait.ge [sflag:s28], $0x180  }
0x17f: {  	[sflag:s28] =	ssyncset.done $0x0  }
0x180: {  	[sflag:s28] =	ssyncadd.s32 $0xFFFFFE80  }
0x181: {  	_ =	strace $0x9000004D  }
0x182: {  	[bflag:$0x0] =	sbarrier.arrive $0xFFFF  }
0x183: {  	s8 =	simm.s32 $0x9880;
	_ =	strace $0x8000004E  }
0x184: {  	[tilespmem:s8], [sflag:$0x2] =	stream.linear.gather [spmem:s2], $0x1800, $0x200038;
	[tilespmem:$0xCE00] =	vst v63  }
0x185: {  	_ =	swait.ge [sflag:s28], $0x1800  }
0x186: {  	[sflag:s28] =	ssyncset.done $0x0  }
0x187: {  	[sflag:s28] =	ssyncadd.s32 $0xFFFFE800  }
0x188: {  	_ =	strace $0x9000004E  }
0x189: {  	s2 =	simm.s32 $0xB120;
	_ =	strace $0x8000004F  }
.LBB2_7:
0x18a: {  	v0 =	vld [tilespmem:s6+$0xFFFFFFE0];
	_ =	sdelay $0x6  }
0x18b: {  	v1 =	vld [tilespmem:s5+$0xFFFFFFE0]  }
0x18c: {  	v0 =	vld.idx.msk [tilespmem:v0+s8+$0x0], $0xffff;
	_ =	sdelay $0x1  }
0x18d: {  	v2 =	vld [tilespmem:s7+$0xFFFFFFE0];
	_ =	sdelay $0x2  }
0x18e: {  	v0 =	vsub.f32 v0, v1;
	_ =	sdelay $0x1  }
0x18f: {  	v0 =	vmul.f32 v0, v2;
	_ =	sdelay $0x1  }
0x190: {  	[tilespmem:s2+$0xFFFFFFE0] =	vst v0  }
0x191: {  	v0 =	vld [tilespmem:s6+$0xFFFFFFF0];
	_ =	sdelay $0x6  }
0x192: {  	v58 =	vld [tilespmem:s5+$0xFFFFFFF0]  }
0x193: {  	v0 =	vld.idx.msk [tilespmem:v0+s8+$0x0], $0xffff;
	_ =	sdelay $0x1  }
0x194: {  	v59 =	vld [tilespmem:s7+$0xFFFFFFF0];
	_ =	sdelay $0x2  }
0x195: {  	v0 =	vsub.f32 v0, v58;
	_ =	sdelay $0x1  }
0x196: {  	v0 =	vmul.f32 v0, v59;
	_ =	sdelay $0x1  }
0x197: {  	[tilespmem:s2+$0xFFFFFFF0] =	vst v0  }
0x198: {  	v0 =	vld [tilespmem:s6+$0x0];
	_ =	sdelay $0x6  }
0x199: {  	v60 =	vld [tilespmem:s5+$0x0]  }
0x19a: {  	v0 =	vld.idx.msk [tilespmem:v0+s8+$0x0], $0xffff;
	_ =	sdelay $0x1  }
0x19b: {  	v61 =	vld [tilespmem:s7+$0x0];
	_ =	sdelay $0x2  }
0x19c: {  	v0 =	vsub.f32 v0, v60;
	_ =	sdelay $0x1  }
0x19d: {  	v0 =	vmul.f32 v0, v61;
	_ =	sdelay $0x1  }
0x19e: {  	[tilespmem:s2+$0x0] =	vst v0  }
0x19f: {  	v0 =	vld [tilespmem:s6+$0x10];
	_ =	sdelay $0x6  }
0x1a0: {  	v62 =	vld [tilespmem:s5+$0x10]  }
0x1a1: {  	v0 =	vld.idx.msk [tilespmem:v0+s8+$0x0], $0xffff;
	_ =	sdelay $0x1  }
0x1a2: {  	v63 =	vld [tilespmem:s7+$0x10];
	_ =	sdelay $0x1  }
0x1a3: {  	p2 =	sne.s32 s4, $0x1  }
.Ltmp4:
0x1a4: {  	v0 =	vsub.f32 v0, v62;
	(pc) =	sbr.rel @p2 .LBB2_7-.Ltmp4, $4  }
0x1a5: {  	_ = 	snop  }
0x1a6: {  	v0 =	vmul.f32 v0, v63  }
0x1a7: {  	s4 =	sadd.s32 $0xFFFFFFFF, s4;
	s5 =	sadd.s32 $0x40, s5  }
0x1a8: {  	s7 =	sadd.s32 $0x40, s7;
	s6 =	sadd.s32 $0x40, s6;
	[tilespmem:s2+$0x10] =	vst v0;
	s2 =	sadd.s32 $0x40, s2  }
0x1a9: {  	v0 =	vld @!p1 [tilespmem:$0x1700];
	_ =	sdelay $0x6  }
0x1aa: {  	s2 =	simm.s32 @!p1 $0x9880;
	v1 =	vld @!p1 [tilespmem:$0x3000]  }
0x1ab: {  	v0 =	vld.idx.msk @!p1 [tilespmem:v0+s2+$0x0], $0xffff  }
0x1ac: {  	v2 =	vld @!p1 [tilespmem:$0x6100]  }
0x1ad: {  	v3 =	vld @!p1 [tilespmem:$0x1710];
	_ =	sdelay $0x2  }
0x1ae: {  	v0 =	vsub.f32 @!p1 v0, v1;
	_ =	sdelay $0x1  }
0x1af: {  	v0 =	vmul.f32 @!p1 v0, v2;
	_ =	sdelay $0x1  }
0x1b0: {  	v1 =	vld @!p1 [tilespmem:$0x3010];
	[tilespmem:$0xC800] =	vst @!p1 v0  }
0x1b1: {  	v0 =	vld.idx.msk @!p1 [tilespmem:v3+s2+$0x0], $0xffff;
	_ =	sdelay $0x1  }
0x1b2: {  	v2 =	vld @!p1 [tilespmem:$0x6110];
	_ =	sdelay $0x2  }
0x1b3: {  	v0 =	vsub.f32 @!p1 v0, v1;
	_ =	sdelay $0x1  }
0x1b4: {  	v0 =	vmul.f32 @!p1 v0, v2;
	_ =	sdelay $0x1  }
0x1b5: {  	[tilespmem:$0xC810] =	vst @!p1 v0  }
0x1b6: {  	s30 =	simm.s32 $0x0;
	_ =	strace $0x9000004F  }
0x1b7: {  	s4 =	simm.s32 $0xB100;
	s31 =	simm.s32 $0x2;
	_ =	strace $0x80000050  }
0x1b8: {  	[hbm4b:s10+s30] =	stream.linear.scatter [tilespmem:s4], [sflag:$0x2], s1, $0x200038;
	[tilespmem:$0xCE00] =	vst v63  }
0x1b9: {  	_ =	swait.ge [sflag:s31], s1  }
0x1ba: {  	[sflag:s31] =	ssyncset.done $0x0  }
0x1bb: {  	[sflag:s31] =	ssyncadd.s32 s3  }
0x1bc: {  	_ =	strace $0x90000050  }
0x1bd: {  	_ =	sfence.sel $0x180000  }
0x1be: {  	[bflag:$0x0] =	sbarrier.arrive $0xFFFF  }
0x1bf: {  	_ =	strace $0x90000047  }
0x1c0: {  	s0 =	sadd.s32 @!p0 $0x100000, s0;
	[bflag:$0x2] =	sbarrier.arrive $0xFFFF  }
0x1c1: {  	[sflag:s0] =	ssyncadd.tile.s32 @!p0 $0x1;
	_ =	shalt  }
.Lfunc_end2:
_tile_overlayer_lowered:
.L_overlay_start_2:
0x1c2: {  	(tag) =	ssettag $0x2  }
0x1c3: {  	s0 =	rddreg [dreg:$0x0];
	s2 =	stileid.u32  }
0x1c4: {  	s1 =	rddreg [dreg:$0x1];
	p0 =	sne.s32 s2, $0x0  }
0x1c5: {  	s3 =	rddreg [dreg:$0x2];
	[bflag:$0x3] =	sbarrier.arrive $0xFFFF;
	s2 =	simm.s32 @!p0 $0x1C02  }
0x1c6: {  	[timem:s3], [sflag:s2] =	dma.local @!p0 [hbm:s0], s1  }
0x1c7: {  	s0 =	simm.s32 @!p0 $0x2  }
0x1c8: {  	_ =	swait.ge @!p0 [sflag:s0], s1  }
0x1c9: {  	s1 =	ssub.s32 @!p0 $0x0, s1;
	[sflag:s0] =	ssyncset.done @!p0 $0x0  }
0x1ca: {  	[sflag:s0] =	ssyncadd.s32 @!p0 s1  }
0x1cb: {  	[bflag:$0x3] =	sbarrier.arrive $0xFFFF  }
0x1cc: {  	_ =	shalt  }

</sc_bundles>
